<compile_context>
chip_gen: v7x
topology: tpu7x:2x2x1
jax: 0.10.2.dev20260603
libtpu: 0.0.44.dev20260713+nightly
codegen_flags: <defaults>
</compile_context>

<pallas_src>
import functools
import math

import jax
import jax.numpy as jnp
from jax import lax
from jax.experimental import pallas as pl
from jax.experimental.pallas import tpu as pltpu
from jax.experimental.pallas import tpu_sc as plsc

D_MODEL = 128
SCALE = math.sqrt(D_MODEL)

NUM_CORES = 2
NUM_SUBCORES = 16
NW = NUM_CORES * NUM_SUBCORES
LANES = 16

CHUNK = 128
B_TOTAL = 4096 * 200
B_PER_W = B_TOTAL // NW
CHUNKS_PER_W = B_PER_W // CHUNK
NBUF = 4
LOOKAHEAD = 2
QUADS = CHUNKS_PER_W // NBUF


@functools.partial(
    pl.kernel,
    mesh=plsc.VectorSubcoreMesh(core_axis_name="c", subcore_axis_name="s"),
    out_type=jax.ShapeDtypeStruct((B_TOTAL, D_MODEL), jnp.float32),
    scratch_types=[
        pltpu.VMEM((CHUNKS_PER_W, CHUNK), jnp.int32),
    ] + [pltpu.VMEM((CHUNK, D_MODEL), jnp.float32)] * NBUF
      + [pltpu.SemaphoreType.DMA] * (2 * NBUF),
)
def _emb_lookup(x_hbm, table_hbm, out_hbm, idx_v, b0, b1, b2, b3,
                g0, g1, g2, g3, s0, s1, s2, s3):
    bufs = (b0, b1, b2, b3)
    gsems = (g0, g1, g2, g3)
    ssems = (s0, s1, s2, s3)

    wid = lax.axis_index("s") * NUM_CORES + lax.axis_index("c")
    base = wid * B_PER_W

    pltpu.sync_copy(x_hbm.at[wid], idx_v)

    def gather_start(g, buf, sem):
        pltpu.async_copy(table_hbm.at[idx_v.at[g]], buf, sem)

    def gather_wait(g, buf, sem):
        pltpu.make_async_copy(table_hbm.at[idx_v.at[g]], buf, sem).wait()

    def scatter_start(g, buf, sem):
        pltpu.async_copy(buf, out_hbm.at[pl.ds(base + g * CHUNK, CHUNK)], sem)

    def scatter_wait(g, buf, sem):
        pltpu.make_async_copy(
            buf, out_hbm.at[pl.ds(base + g * CHUNK, CHUNK)], sem).wait()

    def scale(buf):
        def row_body(r, carry):
            for j in range(D_MODEL // LANES):
                sl = pl.ds(j * LANES, LANES)
                buf[r, sl] = buf[r, sl] * SCALE
            return carry
        lax.fori_loop(0, CHUNK, row_body, 0, unroll=2)

    for g in range(LOOKAHEAD):
        gather_start(g, bufs[g], gsems[g])

    def quad_body(p, carry):
        for b in range(NBUF):
            g = NBUF * p + b
            bb = (b + LOOKAHEAD) % NBUF

            @pl.when(g + LOOKAHEAD < CHUNKS_PER_W)
            def _():
                @pl.when(g >= NBUF - LOOKAHEAD)
                def _():
                    scatter_wait(g + LOOKAHEAD - NBUF, bufs[bb], ssems[bb])
                gather_start(g + LOOKAHEAD, bufs[bb], gsems[bb])

            gather_wait(g, bufs[b], gsems[b])
            scale(bufs[b])
            scatter_start(g, bufs[b], ssems[b])
        return carry

    lax.fori_loop(0, QUADS, quad_body, 0, unroll=False)

    for g in range(CHUNKS_PER_W - NBUF, CHUNKS_PER_W):
        b = g % NBUF
        scatter_wait(g, bufs[b], ssems[b])


def kernel(x, table):
    xf = x.reshape(NW, CHUNKS_PER_W, CHUNK).astype(jnp.int32)
    out = _emb_lookup(xf, table)
    return out.reshape(x.shape[0], x.shape[1], D_MODEL)

# --- scband reference (transcript-rebuilt; emitter-appended) ---
"""Pipeline reference for scband-embeddings-63015760167416 (READ-ONLY COPY).

The authoritative reference and input builder live on the scoring server;
editing this copy changes nothing except your own understanding.
"""

import jax, jax.numpy as jnp
import numpy as np
import math

D_MODEL = 128
VOCAB = 100000

def setup_inputs(seed: int = 0) -> dict:
    key = jax.random.key(seed)
    k1, k2 = jax.random.split(key)
    x = jax.random.randint(k1, (4096, 200), 0, VOCAB, dtype=jnp.int64 if jax.config.jax_enable_x64 else jnp.int32)
    table = jax.random.normal(k2, (VOCAB, D_MODEL), dtype=jnp.float32)
    return {"x": x, "table": table}

def reference(x, table):
    mul = math.sqrt(D_MODEL)
    out = jnp.take(table, x, axis=0) * mul
    return out

if __name__ == "__main__":
    import jax
    _d = setup_inputs()
    print(jax.jit(kernel)(*tuple(_d.values())))

</pallas_src>

<mosaic_0001>
#map = affine_map<(d0, d1) -> (0, 0, 0)>
#map1 = affine_map<(d0, d1) -> (0, 0)>
module attributes {stable_mosaic.version = 14 : i64} {
  func.func @_emb_lookup(%arg0: i32, %arg1: i32, %arg2: memref<32x200x128xi32, #tpu.memory_space<hbm>>, %arg3: memref<100000x128xf32, #tpu.memory_space<hbm>>, %arg4: memref<819200x128xf32, #tpu.memory_space<hbm>>, %arg5: memref<200x128xi32, #tpu.memory_space<vmem>>, %arg6: memref<128x128xf32, #tpu.memory_space<vmem>>, %arg7: memref<128x128xf32, #tpu.memory_space<vmem>>, %arg8: memref<128x128xf32, #tpu.memory_space<vmem>>, %arg9: memref<128x128xf32, #tpu.memory_space<vmem>>, %arg10: memref<!tpu.dma_semaphore, #tpu.memory_space<semaphore_mem>>, %arg11: memref<!tpu.dma_semaphore, #tpu.memory_space<semaphore_mem>>, %arg12: memref<!tpu.dma_semaphore, #tpu.memory_space<semaphore_mem>>, %arg13: memref<!tpu.dma_semaphore, #tpu.memory_space<semaphore_mem>>, %arg14: memref<!tpu.dma_semaphore, #tpu.memory_space<semaphore_mem>>, %arg15: memref<!tpu.dma_semaphore, #tpu.memory_space<semaphore_mem>>, %arg16: memref<!tpu.dma_semaphore, #tpu.memory_space<semaphore_mem>>, %arg17: memref<!tpu.dma_semaphore, #tpu.memory_space<semaphore_mem>>) attributes {dimension_semantics = [#tpu.dimension_semantics<core_parallel>, #tpu.dimension_semantics<subcore_parallel>], iteration_bounds = array<i64: 2, 16>, scalar_prefetch = 0 : i64, scratch_operands = 13 : i64, tpu.core_type = #tpu.core_type<sc_vector_subcore>, window_params = [{transform_indices = #map}, {transform_indices = #map1}, {transform_indices = #map1}]} {
    %mul3A = arith.constant 2 : i32
    %mul3A_0 = arith.muli %arg1, %mul3A : i32
    %add3A = arith.addi %mul3A_0, %arg0 : i32
    %mul3A_1 = arith.constant 25600 : i32
    %mul3A_2 = arith.muli %add3A, %mul3A_1 : i32
    "tpu.region"() ({
      %run_scoped3A = tpu.sem_alloc : memref<!tpu.dma_semaphore, #tpu.memory_space<semaphore_mem>>
      %dma_start3A_44 = arith.constant 0 : i32
      %dma_start3A_45 = arith.constant 0 : i32
      %dma_start3A_46 = tpu.memref_slice %arg2[%add3A, %dma_start3A_44, %dma_start3A_45] : memref<32x200x128xi32, #tpu.memory_space<hbm>> -> memref<1x200x128xi32, #tpu.memory_space<hbm>>
      %dma_start3A_47 = tpu.memref_squeeze %dma_start3A_46 : memref<1x200x128xi32, #tpu.memory_space<hbm>> -> memref<200x128xi32, #tpu.memory_space<hbm>>
      %dma_start3A_48 = arith.constant 0 : i32
      %dma_start3A_49 = arith.constant 0 : i32
      %dma_start3A_50 = tpu.memref_slice %arg2[%add3A, %dma_start3A_48, %dma_start3A_49] : memref<32x200x128xi32, #tpu.memory_space<hbm>> -> memref<1x200x128xi32, #tpu.memory_space<hbm>>
      %dma_start3A_51 = tpu.memref_squeeze %dma_start3A_50 : memref<1x200x128xi32, #tpu.memory_space<hbm>> -> memref<200x128xi32, #tpu.memory_space<hbm>>
      tpu.enqueue_dma source(%dma_start3A_51 : memref<200x128xi32, #tpu.memory_space<hbm>>) target(%arg5 : memref<200x128xi32, #tpu.memory_space<vmem>>) target_semaphore(%run_scoped3A : memref<!tpu.dma_semaphore, #tpu.memory_space<semaphore_mem>>)
      %dma_wait3A_52 = arith.constant 0 : i32
      %dma_wait3A_53 = arith.constant 0 : i32
      %dma_wait3A_54 = tpu.memref_slice %arg2[%add3A, %dma_wait3A_52, %dma_wait3A_53] : memref<32x200x128xi32, #tpu.memory_space<hbm>> -> memref<1x200x128xi32, #tpu.memory_space<hbm>>
      %dma_wait3A_55 = tpu.memref_squeeze %dma_wait3A_54 : memref<1x200x128xi32, #tpu.memory_space<hbm>> -> memref<200x128xi32, #tpu.memory_space<hbm>>
      %dma_wait3A_56 = arith.constant 0 : i32
      %dma_wait3A_57 = arith.constant 0 : i32
      %dma_wait3A_58 = tpu.memref_slice %arg2[%add3A, %dma_wait3A_56, %dma_wait3A_57] : memref<32x200x128xi32, #tpu.memory_space<hbm>> -> memref<1x200x128xi32, #tpu.memory_space<hbm>>
      %dma_wait3A_59 = tpu.memref_squeeze %dma_wait3A_58 : memref<1x200x128xi32, #tpu.memory_space<hbm>> -> memref<200x128xi32, #tpu.memory_space<hbm>>
      tpu.wait_dma2 semaphore(%run_scoped3A : memref<!tpu.dma_semaphore, #tpu.memory_space<semaphore_mem>>) src(%dma_wait3A_59 : memref<200x128xi32, #tpu.memory_space<hbm>>) dst(%arg5 : memref<200x128xi32, #tpu.memory_space<vmem>>)
      tpu.yield
    }) : () -> ()
    %dma_start3A = arith.constant 0 : i32
    %dma_start3A_3 = arith.constant 0 : i32
    %dma_start3A_4 = tpu.memref_slice %arg5[%dma_start3A, %dma_start3A_3] : memref<200x128xi32, #tpu.memory_space<vmem>> -> memref<1x128xi32, #tpu.memory_space<vmem>>
    %dma_start3A_5 = tpu.memref_squeeze %dma_start3A_4 : memref<1x128xi32, #tpu.memory_space<vmem>> -> memref<128xi32, #tpu.memory_space<vmem>>
    %dma_start3A_6 = arith.constant 0 : i32
    %dma_start3A_7 = arith.constant 0 : i32
    %dma_start3A_8 = tpu.memref_slice %arg3[%dma_start3A_6, %dma_start3A_7] : memref<100000x128xf32, #tpu.memory_space<hbm>> -> memref<100000x128xf32, #tpu.memory_space<hbm>>
    tpu.enqueue_indirect_dma source(%dma_start3A_8 : memref<100000x128xf32, #tpu.memory_space<hbm>>) target(%arg6 : memref<128x128xf32, #tpu.memory_space<vmem>>) offsets(%dma_start3A_5 : memref<128xi32, #tpu.memory_space<vmem>>) semaphore(%arg10 : memref<!tpu.dma_semaphore, #tpu.memory_space<semaphore_mem>>)
    %dma_start3A_9 = arith.constant 1 : i32
    %dma_start3A_10 = arith.constant 0 : i32
    %dma_start3A_11 = tpu.memref_slice %arg5[%dma_start3A_9, %dma_start3A_10] : memref<200x128xi32, #tpu.memory_space<vmem>> -> memref<1x128xi32, #tpu.memory_space<vmem>>
    %dma_start3A_12 = tpu.memref_squeeze %dma_start3A_11 : memref<1x128xi32, #tpu.memory_space<vmem>> -> memref<128xi32, #tpu.memory_space<vmem>>
    %dma_start3A_13 = arith.constant 0 : i32
    %dma_start3A_14 = arith.constant 0 : i32
    %dma_start3A_15 = tpu.memref_slice %arg3[%dma_start3A_13, %dma_start3A_14] : memref<100000x128xf32, #tpu.memory_space<hbm>> -> memref<100000x128xf32, #tpu.memory_space<hbm>>
    tpu.enqueue_indirect_dma source(%dma_start3A_15 : memref<100000x128xf32, #tpu.memory_space<hbm>>) target(%arg7 : memref<128x128xf32, #tpu.memory_space<vmem>>) offsets(%dma_start3A_12 : memref<128xi32, #tpu.memory_space<vmem>>) semaphore(%arg11 : memref<!tpu.dma_semaphore, #tpu.memory_space<semaphore_mem>>)
    %scan3A = arith.constant 0 : i32
    %scan3A_16 = arith.constant 0 : i32
    %scan3A_17 = arith.constant 50 : i32
    %scan3A_18 = arith.addi %scan3A_16, %scan3A_17 : i32
    %scan3A_19 = arith.constant 1 : i32
    scf.for %scan3A_44 = %scan3A_16 to %scan3A_18 step %scan3A_19  : i32 {
      %mul3A_45 = arith.constant 4 : i32
      %mul3A_46 = arith.muli %mul3A_45, %scan3A_44 : i32
      %add3A_47 = arith.constant 0 : i32
      %add3A_48 = arith.addi %mul3A_46, %add3A_47 : i32
      %add3A_49 = arith.constant 2 : i32
      %add3A_50 = arith.addi %add3A_48, %add3A_49 : i32
      %lt3A = arith.constant 200 : i32
      %lt3A_51 = arith.cmpi slt, %add3A_50, %lt3A : i32
      %convert_element_type3A = arith.extui %lt3A_51 : i1 to i32
      %cond3A = arith.constant 0 : i32
      %cond3A_52 = arith.cmpi ne, %convert_element_type3A, %cond3A : i32
      scf.if %cond3A_52 {
        %ge3A = arith.constant 2 : i32
        %ge3A_162 = arith.cmpi sge, %add3A_48, %ge3A : i32
        %convert_element_type3A_163 = arith.extui %ge3A_162 : i1 to i32
        %cond3A_164 = arith.constant 0 : i32
        %cond3A_165 = arith.cmpi ne, %convert_element_type3A_163, %cond3A_164 : i32
        scf.if %cond3A_165 {
          %add3A_174 = arith.constant 2 : i32
          %add3A_175 = arith.addi %add3A_48, %add3A_174 : i32
          %sub3A = arith.constant 4 : i32
          %sub3A_176 = arith.subi %add3A_175, %sub3A : i32
          %mul3A_177 = arith.constant 128 : i32
          %mul3A_178 = arith.muli %sub3A_176, %mul3A_177 : i32
          %add3A_179 = arith.addi %mul3A_2, %mul3A_178 : i32
          %dma_wait3A_180 = arith.constant 0 : i32
          %dma_wait3A_181 = tpu.memref_slice %arg4[%add3A_179, %dma_wait3A_180] : memref<819200x128xf32, #tpu.memory_space<hbm>> -> memref<128x128xf32, #tpu.memory_space<hbm>>
          %dma_wait3A_182 = arith.constant 0 : i32
          %dma_wait3A_183 = tpu.memref_slice %arg4[%add3A_179, %dma_wait3A_182] : memref<819200x128xf32, #tpu.memory_space<hbm>> -> memref<128x128xf32, #tpu.memory_space<hbm>>
          tpu.wait_dma2 semaphore(%arg16 : memref<!tpu.dma_semaphore, #tpu.memory_space<semaphore_mem>>) src(%arg8 : memref<128x128xf32, #tpu.memory_space<vmem>>) dst(%dma_wait3A_183 : memref<128x128xf32, #tpu.memory_space<hbm>>)
        } else {
        }
        %add3A_166 = arith.constant 2 : i32
        %add3A_167 = arith.addi %add3A_48, %add3A_166 : i32
        %dma_start3A_168 = arith.constant 0 : i32
        %dma_start3A_169 = tpu.memref_slice %arg5[%add3A_167, %dma_start3A_168] : memref<200x128xi32, #tpu.memory_space<vmem>> -> memref<1x128xi32, #tpu.memory_space<vmem>>
        %dma_start3A_170 = tpu.memref_squeeze %dma_start3A_169 : memref<1x128xi32, #tpu.memory_space<vmem>> -> memref<128xi32, #tpu.memory_space<vmem>>
        %dma_start3A_171 = arith.constant 0 : i32
        %dma_start3A_172 = arith.constant 0 : i32
        %dma_start3A_173 = tpu.memref_slice %arg3[%dma_start3A_171, %dma_start3A_172] : memref<100000x128xf32, #tpu.memory_space<hbm>> -> memref<100000x128xf32, #tpu.memory_space<hbm>>
        tpu.enqueue_indirect_dma source(%dma_start3A_173 : memref<100000x128xf32, #tpu.memory_space<hbm>>) target(%arg8 : memref<128x128xf32, #tpu.memory_space<vmem>>) offsets(%dma_start3A_170 : memref<128xi32, #tpu.memory_space<vmem>>) semaphore(%arg12 : memref<!tpu.dma_semaphore, #tpu.memory_space<semaphore_mem>>)
      } else {
      }
      %dma_wait3A_53 = arith.constant 0 : i32
      %dma_wait3A_54 = tpu.memref_slice %arg5[%add3A_48, %dma_wait3A_53] : memref<200x128xi32, #tpu.memory_space<vmem>> -> memref<1x128xi32, #tpu.memory_space<vmem>>
      %dma_wait3A_55 = tpu.memref_squeeze %dma_wait3A_54 : memref<1x128xi32, #tpu.memory_space<vmem>> -> memref<128xi32, #tpu.memory_space<vmem>>
      %dma_wait3A_56 = arith.constant 0 : i32
      %dma_wait3A_57 = arith.constant 0 : i32
      %dma_wait3A_58 = tpu.memref_slice %arg3[%dma_wait3A_56, %dma_wait3A_57] : memref<100000x128xf32, #tpu.memory_space<hbm>> -> memref<100000x128xf32, #tpu.memory_space<hbm>>
      tpu.wait_indirect_dma semaphore(%arg10 : memref<!tpu.dma_semaphore, #tpu.memory_space<semaphore_mem>>) src(%dma_wait3A_58 : memref<100000x128xf32, #tpu.memory_space<hbm>>) dst(%arg6 : memref<128x128xf32, #tpu.memory_space<vmem>>)
      %scan3A_59 = arith.constant 0 : i32
      %scan3A_60 = arith.constant 0 : i32
      %scan3A_61 = arith.constant 128 : i32
      %scan3A_62 = arith.addi %scan3A_60, %scan3A_61 : i32
      %scan3A_63 = arith.constant 2 : i32
      scf.for %scan3A_162 = %scan3A_60 to %scan3A_62 step %scan3A_63  : i32 {
        %get3A = arith.index_cast %scan3A_162 : i32 to index
        %get3A_163 = arith.constant 0 : index
        %get3A_164 = tpu.vector_load %arg6[%get3A, %get3A_163] {strides = array<i32>} : memref<128x128xf32, #tpu.memory_space<vmem>>, vector<1x16xf32>,
        %get3A_165 = vector.shape_cast %get3A_164 : vector<1x16xf32> to vector<16xf32>
        %mul3A_166 = arith.constant 11.3137083 : f32
        %mul3A_167 = vector.broadcast %mul3A_166 : f32 to vector<16xf32>
        %mul3A_168 = arith.mulf %get3A_165, %mul3A_167 : vector<16xf32>
        %swap3A = arith.index_cast %scan3A_162 : i32 to index
        %swap3A_169 = arith.constant 0 : index
        %swap3A_170 = tpu.vector_load %arg6[%swap3A, %swap3A_169] {strides = array<i32>} : memref<128x128xf32, #tpu.memory_space<vmem>>, vector<1x16xf32>,
        %swap3A_171 = vector.shape_cast %swap3A_170 : vector<1x16xf32> to vector<16xf32>
        %swap3A_172 = vector.shape_cast %mul3A_168 : vector<16xf32> to vector<1x16xf32>
        tpu.vector_store %arg6[%swap3A, %swap3A_169], %swap3A_172 {strides = array<i32>} : memref<128x128xf32, #tpu.memory_space<vmem>>, vector<1x16xf32>,
        %get3A_173 = arith.index_cast %scan3A_162 : i32 to index
        %get3A_174 = arith.constant 16 : index
        %get3A_175 = tpu.vector_load %arg6[%get3A_173, %get3A_174] {strides = array<i32>} : memref<128x128xf32, #tpu.memory_space<vmem>>, vector<1x16xf32>,
        %get3A_176 = vector.shape_cast %get3A_175 : vector<1x16xf32> to vector<16xf32>
        %mul3A_177 = arith.constant 11.3137083 : f32
        %mul3A_178 = vector.broadcast %mul3A_177 : f32 to vector<16xf32>
        %mul3A_179 = arith.mulf %get3A_176, %mul3A_178 : vector<16xf32>
        %swap3A_180 = arith.index_cast %scan3A_162 : i32 to index
        %swap3A_181 = arith.constant 16 : index
        %swap3A_182 = tpu.vector_load %arg6[%swap3A_180, %swap3A_181] {strides = array<i32>} : memref<128x128xf32, #tpu.memory_space<vmem>>, vector<1x16xf32>,
        %swap3A_183 = vector.shape_cast %swap3A_182 : vector<1x16xf32> to vector<16xf32>
        %swap3A_184 = vector.shape_cast %mul3A_179 : vector<16xf32> to vector<1x16xf32>
        tpu.vector_store %arg6[%swap3A_180, %swap3A_181], %swap3A_184 {strides = array<i32>} : memref<128x128xf32, #tpu.memory_space<vmem>>, vector<1x16xf32>,
        %get3A_185 = arith.index_cast %scan3A_162 : i32 to index
        %get3A_186 = arith.constant 32 : index
        %get3A_187 = tpu.vector_load %arg6[%get3A_185, %get3A_186] {strides = array<i32>} : memref<128x128xf32, #tpu.memory_space<vmem>>, vector<1x16xf32>,
        %get3A_188 = vector.shape_cast %get3A_187 : vector<1x16xf32> to vector<16xf32>
        %mul3A_189 = arith.constant 11.3137083 : f32
        %mul3A_190 = vector.broadcast %mul3A_189 : f32 to vector<16xf32>
        %mul3A_191 = arith.mulf %get3A_188, %mul3A_190 : vector<16xf32>
        %swap3A_192 = arith.index_cast %scan3A_162 : i32 to index
        %swap3A_193 = arith.constant 32 : index
        %swap3A_194 = tpu.vector_load %arg6[%swap3A_192, %swap3A_193] {strides = array<i32>} : memref<128x128xf32, #tpu.memory_space<vmem>>, vector<1x16xf32>,
        %swap3A_195 = vector.shape_cast %swap3A_194 : vector<1x16xf32> to vector<16xf32>
        %swap3A_196 = vector.shape_cast %mul3A_191 : vector<16xf32> to vector<1x16xf32>
        tpu.vector_store %arg6[%swap3A_192, %swap3A_193], %swap3A_196 {strides = array<i32>} : memref<128x128xf32, #tpu.memory_space<vmem>>, vector<1x16xf32>,
        %get3A_197 = arith.index_cast %scan3A_162 : i32 to index
        %get3A_198 = arith.constant 48 : index
        %get3A_199 = tpu.vector_load %arg6[%get3A_197, %get3A_198] {strides = array<i32>} : memref<128x128xf32, #tpu.memory_space<vmem>>, vector<1x16xf32>,
        %get3A_200 = vector.shape_cast %get3A_199 : vector<1x16xf32> to vector<16xf32>
        %mul3A_201 = arith.constant 11.3137083 : f32
        %mul3A_202 = vector.broadcast %mul3A_201 : f32 to vector<16xf32>
        %mul3A_203 = arith.mulf %get3A_200, %mul3A_202 : vector<16xf32>
        %swap3A_204 = arith.index_cast %scan3A_162 : i32 to index
        %swap3A_205 = arith.constant 48 : index
        %swap3A_206 = tpu.vector_load %arg6[%swap3A_204, %swap3A_205] {strides = array<i32>} : memref<128x128xf32, #tpu.memory_space<vmem>>, vector<1x16xf32>,
        %swap3A_207 = vector.shape_cast %swap3A_206 : vector<1x16xf32> to vector<16xf32>
        %swap3A_208 = vector.shape_cast %mul3A_203 : vector<16xf32> to vector<1x16xf32>
        tpu.vector_store %arg6[%swap3A_204, %swap3A_205], %swap3A_208 {strides = array<i32>} : memref<128x128xf32, #tpu.memory_space<vmem>>, vector<1x16xf32>,
        %get3A_209 = arith.index_cast %scan3A_162 : i32 to index
        %get3A_210 = arith.constant 64 : index
        %get3A_211 = tpu.vector_load %arg6[%get3A_209, %get3A_210] {strides = array<i32>} : memref<128x128xf32, #tpu.memory_space<vmem>>, vector<1x16xf32>,
        %get3A_212 = vector.shape_cast %get3A_211 : vector<1x16xf32> to vector<16xf32>
        %mul3A_213 = arith.constant 11.3137083 : f32
        %mul3A_214 = vector.broadcast %mul3A_213 : f32 to vector<16xf32>
        %mul3A_215 = arith.mulf %get3A_212, %mul3A_214 : vector<16xf32>
        %swap3A_216 = arith.index_cast %scan3A_162 : i32 to index
        %swap3A_217 = arith.constant 64 : index
        %swap3A_218 = tpu.vector_load %arg6[%swap3A_216, %swap3A_217] {strides = array<i32>} : memref<128x128xf32, #tpu.memory_space<vmem>>, vector<1x16xf32>,
        %swap3A_219 = vector.shape_cast %swap3A_218 : vector<1x16xf32> to vector<16xf32>
        %swap3A_220 = vector.shape_cast %mul3A_215 : vector<16xf32> to vector<1x16xf32>
        tpu.vector_store %arg6[%swap3A_216, %swap3A_217], %swap3A_220 {strides = array<i32>} : memref<128x128xf32, #tpu.memory_space<vmem>>, vector<1x16xf32>,
        %get3A_221 = arith.index_cast %scan3A_162 : i32 to index
        %get3A_222 = arith.constant 80 : index
        %get3A_223 = tpu.vector_load %arg6[%get3A_221, %get3A_222] {strides = array<i32>} : memref<128x128xf32, #tpu.memory_space<vmem>>, vector<1x16xf32>,
        %get3A_224 = vector.shape_cast %get3A_223 : vector<1x16xf32> to vector<16xf32>
        %mul3A_225 = arith.constant 11.3137083 : f32
        %mul3A_226 = vector.broadcast %mul3A_225 : f32 to vector<16xf32>
        %mul3A_227 = arith.mulf %get3A_224, %mul3A_226 : vector<16xf32>
        %swap3A_228 = arith.index_cast %scan3A_162 : i32 to index
        %swap3A_229 = arith.constant 80 : index
        %swap3A_230 = tpu.vector_load %arg6[%swap3A_228, %swap3A_229] {strides = array<i32>} : memref<128x128xf32, #tpu.memory_space<vmem>>, vector<1x16xf32>,
        %swap3A_231 = vector.shape_cast %swap3A_230 : vector<1x16xf32> to vector<16xf32>
        %swap3A_232 = vector.shape_cast %mul3A_227 : vector<16xf32> to vector<1x16xf32>
        tpu.vector_store %arg6[%swap3A_228, %swap3A_229], %swap3A_232 {strides = array<i32>} : memref<128x128xf32, #tpu.memory_space<vmem>>, vector<1x16xf32>,
        %get3A_233 = arith.index_cast %scan3A_162 : i32 to index
        %get3A_234 = arith.constant 96 : index
        %get3A_235 = tpu.vector_load %arg6[%get3A_233, %get3A_234] {strides = array<i32>} : memref<128x128xf32, #tpu.memory_space<vmem>>, vector<1x16xf32>,
        %get3A_236 = vector.shape_cast %get3A_235 : vector<1x16xf32> to vector<16xf32>
        %mul3A_237 = arith.constant 11.3137083 : f32
        %mul3A_238 = vector.broadcast %mul3A_237 : f32 to vector<16xf32>
        %mul3A_239 = arith.mulf %get3A_236, %mul3A_238 : vector<16xf32>
        %swap3A_240 = arith.index_cast %scan3A_162 : i32 to index
        %swap3A_241 = arith.constant 96 : index
        %swap3A_242 = tpu.vector_load %arg6[%swap3A_240, %swap3A_241] {strides = array<i32>} : memref<128x128xf32, #tpu.memory_space<vmem>>, vector<1x16xf32>,
        %swap3A_243 = vector.shape_cast %swap3A_242 : vector<1x16xf32> to vector<16xf32>
        %swap3A_244 = vector.shape_cast %mul3A_239 : vector<16xf32> to vector<1x16xf32>
        tpu.vector_store %arg6[%swap3A_240, %swap3A_241], %swap3A_244 {strides = array<i32>} : memref<128x128xf32, #tpu.memory_space<vmem>>, vector<1x16xf32>,
        %get3A_245 = arith.index_cast %scan3A_162 : i32 to index
        %get3A_246 = arith.constant 112 : index
        %get3A_247 = tpu.vector_load %arg6[%get3A_245, %get3A_246] {strides = array<i32>} : memref<128x128xf32, #tpu.memory_space<vmem>>, vector<1x16xf32>,
        %get3A_248 = vector.shape_cast %get3A_247 : vector<1x16xf32> to vector<16xf32>
        %mul3A_249 = arith.constant 11.3137083 : f32
        %mul3A_250 = vector.broadcast %mul3A_249 : f32 to vector<16xf32>
        %mul3A_251 = arith.mulf %get3A_248, %mul3A_250 : vector<16xf32>
        %swap3A_252 = arith.index_cast %scan3A_162 : i32 to index
        %swap3A_253 = arith.constant 112 : index
        %swap3A_254 = tpu.vector_load %arg6[%swap3A_252, %swap3A_253] {strides = array<i32>} : memref<128x128xf32, #tpu.memory_space<vmem>>, vector<1x16xf32>,
        %swap3A_255 = vector.shape_cast %swap3A_254 : vector<1x16xf32> to vector<16xf32>
        %swap3A_256 = vector.shape_cast %mul3A_251 : vector<16xf32> to vector<1x16xf32>
        tpu.vector_store %arg6[%swap3A_252, %swap3A_253], %swap3A_256 {strides = array<i32>} : memref<128x128xf32, #tpu.memory_space<vmem>>, vector<1x16xf32>,
        %scan3A_257 = arith.constant 1 : i32
        %scan3A_258 = arith.addi %scan3A_162, %scan3A_257 : i32
        %get3A_259 = arith.index_cast %scan3A_258 : i32 to index
        %get3A_260 = arith.constant 0 : index
        %get3A_261 = tpu.vector_load %arg6[%get3A_259, %get3A_260] {strides = array<i32>} : memref<128x128xf32, #tpu.memory_space<vmem>>, vector<1x16xf32>,
        %get3A_262 = vector.shape_cast %get3A_261 : vector<1x16xf32> to vector<16xf32>
        %mul3A_263 = arith.constant 11.3137083 : f32
        %mul3A_264 = vector.broadcast %mul3A_263 : f32 to vector<16xf32>
        %mul3A_265 = arith.mulf %get3A_262, %mul3A_264 : vector<16xf32>
        %swap3A_266 = arith.index_cast %scan3A_258 : i32 to index
        %swap3A_267 = arith.constant 0 : index
        %swap3A_268 = tpu.vector_load %arg6[%swap3A_266, %swap3A_267] {strides = array<i32>} : memref<128x128xf32, #tpu.memory_space<vmem>>, vector<1x16xf32>,
        %swap3A_269 = vector.shape_cast %swap3A_268 : vector<1x16xf32> to vector<16xf32>
        %swap3A_270 = vector.shape_cast %mul3A_265 : vector<16xf32> to vector<1x16xf32>
        tpu.vector_store %arg6[%swap3A_266, %swap3A_267], %swap3A_270 {strides = array<i32>} : memref<128x128xf32, #tpu.memory_space<vmem>>, vector<1x16xf32>,
        %get3A_271 = arith.index_cast %scan3A_258 : i32 to index
        %get3A_272 = arith.constant 16 : index
        %get3A_273 = tpu.vector_load %arg6[%get3A_271, %get3A_272] {strides = array<i32>} : memref<128x128xf32, #tpu.memory_space<vmem>>, vector<1x16xf32>,
        %get3A_274 = vector.shape_cast %get3A_273 : vector<1x16xf32> to vector<16xf32>
        %mul3A_275 = arith.constant 11.3137083 : f32
        %mul3A_276 = vector.broadcast %mul3A_275 : f32 to vector<16xf32>
        %mul3A_277 = arith.mulf %get3A_274, %mul3A_276 : vector<16xf32>
        %swap3A_278 = arith.index_cast %scan3A_258 : i32 to index
        %swap3A_279 = arith.constant 16 : index
        %swap3A_280 = tpu.vector_load %arg6[%swap3A_278, %swap3A_279] {strides = array<i32>} : memref<128x128xf32, #tpu.memory_space<vmem>>, vector<1x16xf32>,
        %swap3A_281 = vector.shape_cast %swap3A_280 : vector<1x16xf32> to vector<16xf32>
        %swap3A_282 = vector.shape_cast %mul3A_277 : vector<16xf32> to vector<1x16xf32>
        tpu.vector_store %arg6[%swap3A_278, %swap3A_279], %swap3A_282 {strides = array<i32>} : memref<128x128xf32, #tpu.memory_space<vmem>>, vector<1x16xf32>,
        %get3A_283 = arith.index_cast %scan3A_258 : i32 to index
        %get3A_284 = arith.constant 32 : index
        %get3A_285 = tpu.vector_load %arg6[%get3A_283, %get3A_284] {strides = array<i32>} : memref<128x128xf32, #tpu.memory_space<vmem>>, vector<1x16xf32>,
        %get3A_286 = vector.shape_cast %get3A_285 : vector<1x16xf32> to vector<16xf32>
        %mul3A_287 = arith.constant 11.3137083 : f32
        %mul3A_288 = vector.broadcast %mul3A_287 : f32 to vector<16xf32>
        %mul3A_289 = arith.mulf %get3A_286, %mul3A_288 : vector<16xf32>
        %swap3A_290 = arith.index_cast %scan3A_258 : i32 to index
        %swap3A_291 = arith.constant 32 : index
        %swap3A_292 = tpu.vector_load %arg6[%swap3A_290, %swap3A_291] {strides = array<i32>} : memref<128x128xf32, #tpu.memory_space<vmem>>, vector<1x16xf32>,
        %swap3A_293 = vector.shape_cast %swap3A_292 : vector<1x16xf32> to vector<16xf32>
        %swap3A_294 = vector.shape_cast %mul3A_289 : vector<16xf32> to vector<1x16xf32>
        tpu.vector_store %arg6[%swap3A_290, %swap3A_291], %swap3A_294 {strides = array<i32>} : memref<128x128xf32, #tpu.memory_space<vmem>>, vector<1x16xf32>,
        %get3A_295 = arith.index_cast %scan3A_258 : i32 to index
        %get3A_296 = arith.constant 48 : index
        %get3A_297 = tpu.vector_load %arg6[%get3A_295, %get3A_296] {strides = array<i32>} : memref<128x128xf32, #tpu.memory_space<vmem>>, vector<1x16xf32>,
        %get3A_298 = vector.shape_cast %get3A_297 : vector<1x16xf32> to vector<16xf32>
        %mul3A_299 = arith.constant 11.3137083 : f32
        %mul3A_300 = vector.broadcast %mul3A_299 : f32 to vector<16xf32>
        %mul3A_301 = arith.mulf %get3A_298, %mul3A_300 : vector<16xf32>
        %swap3A_302 = arith.index_cast %scan3A_258 : i32 to index
        %swap3A_303 = arith.constant 48 : index
        %swap3A_304 = tpu.vector_load %arg6[%swap3A_302, %swap3A_303] {strides = array<i32>} : memref<128x128xf32, #tpu.memory_space<vmem>>, vector<1x16xf32>,
        %swap3A_305 = vector.shape_cast %swap3A_304 : vector<1x16xf32> to vector<16xf32>
        %swap3A_306 = vector.shape_cast %mul3A_301 : vector<16xf32> to vector<1x16xf32>
        tpu.vector_store %arg6[%swap3A_302, %swap3A_303], %swap3A_306 {strides = array<i32>} : memref<128x128xf32, #tpu.memory_space<vmem>>, vector<1x16xf32>,
        %get3A_307 = arith.index_cast %scan3A_258 : i32 to index
        %get3A_308 = arith.constant 64 : index
        %get3A_309 = tpu.vector_load %arg6[%get3A_307, %get3A_308] {strides = array<i32>} : memref<128x128xf32, #tpu.memory_space<vmem>>, vector<1x16xf32>,
        %get3A_310 = vector.shape_cast %get3A_309 : vector<1x16xf32> to vector<16xf32>
        %mul3A_311 = arith.constant 11.3137083 : f32
        %mul3A_312 = vector.broadcast %mul3A_311 : f32 to vector<16xf32>
        %mul3A_313 = arith.mulf %get3A_310, %mul3A_312 : vector<16xf32>
        %swap3A_314 = arith.index_cast %scan3A_258 : i32 to index
        %swap3A_315 = arith.constant 64 : index
        %swap3A_316 = tpu.vector_load %arg6[%swap3A_314, %swap3A_315] {strides = array<i32>} : memref<128x128xf32, #tpu.memory_space<vmem>>, vector<1x16xf32>,
        %swap3A_317 = vector.shape_cast %swap3A_316 : vector<1x16xf32> to vector<16xf32>
        %swap3A_318 = vector.shape_cast %mul3A_313 : vector<16xf32> to vector<1x16xf32>
        tpu.vector_store %arg6[%swap3A_314, %swap3A_315], %swap3A_318 {strides = array<i32>} : memref<128x128xf32, #tpu.memory_space<vmem>>, vector<1x16xf32>,
        %get3A_319 = arith.index_cast %scan3A_258 : i32 to index
        %get3A_320 = arith.constant 80 : index
        %get3A_321 = tpu.vector_load %arg6[%get3A_319, %get3A_320] {strides = array<i32>} : memref<128x128xf32, #tpu.memory_space<vmem>>, vector<1x16xf32>,
        %get3A_322 = vector.shape_cast %get3A_321 : vector<1x16xf32> to vector<16xf32>
        %mul3A_323 = arith.constant 11.3137083 : f32
        %mul3A_324 = vector.broadcast %mul3A_323 : f32 to vector<16xf32>
        %mul3A_325 = arith.mulf %get3A_322, %mul3A_324 : vector<16xf32>
        %swap3A_326 = arith.index_cast %scan3A_258 : i32 to index
        %swap3A_327 = arith.constant 80 : index
        %swap3A_328 = tpu.vector_load %arg6[%swap3A_326, %swap3A_327] {strides = array<i32>} : memref<128x128xf32, #tpu.memory_space<vmem>>, vector<1x16xf32>,
        %swap3A_329 = vector.shape_cast %swap3A_328 : vector<1x16xf32> to vector<16xf32>
        %swap3A_330 = vector.shape_cast %mul3A_325 : vector<16xf32> to vector<1x16xf32>
        tpu.vector_store %arg6[%swap3A_326, %swap3A_327], %swap3A_330 {strides = array<i32>} : memref<128x128xf32, #tpu.memory_space<vmem>>, vector<1x16xf32>,
        %get3A_331 = arith.index_cast %scan3A_258 : i32 to index
        %get3A_332 = arith.constant 96 : index
        %get3A_333 = tpu.vector_load %arg6[%get3A_331, %get3A_332] {strides = array<i32>} : memref<128x128xf32, #tpu.memory_space<vmem>>, vector<1x16xf32>,
        %get3A_334 = vector.shape_cast %get3A_333 : vector<1x16xf32> to vector<16xf32>
        %mul3A_335 = arith.constant 11.3137083 : f32
        %mul3A_336 = vector.broadcast %mul3A_335 : f32 to vector<16xf32>
        %mul3A_337 = arith.mulf %get3A_334, %mul3A_336 : vector<16xf32>
        %swap3A_338 = arith.index_cast %scan3A_258 : i32 to index
        %swap3A_339 = arith.constant 96 : index
        %swap3A_340 = tpu.vector_load %arg6[%swap3A_338, %swap3A_339] {strides = array<i32>} : memref<128x128xf32, #tpu.memory_space<vmem>>, vector<1x16xf32>,
        %swap3A_341 = vector.shape_cast %swap3A_340 : vector<1x16xf32> to vector<16xf32>
        %swap3A_342 = vector.shape_cast %mul3A_337 : vector<16xf32> to vector<1x16xf32>
        tpu.vector_store %arg6[%swap3A_338, %swap3A_339], %swap3A_342 {strides = array<i32>} : memref<128x128xf32, #tpu.memory_space<vmem>>, vector<1x16xf32>,
        %get3A_343 = arith.index_cast %scan3A_258 : i32 to index
        %get3A_344 = arith.constant 112 : index
        %get3A_345 = tpu.vector_load %arg6[%get3A_343, %get3A_344] {strides = array<i32>} : memref<128x128xf32, #tpu.memory_space<vmem>>, vector<1x16xf32>,
        %get3A_346 = vector.shape_cast %get3A_345 : vector<1x16xf32> to vector<16xf32>
        %mul3A_347 = arith.constant 11.3137083 : f32
        %mul3A_348 = vector.broadcast %mul3A_347 : f32 to vector<16xf32>
        %mul3A_349 = arith.mulf %get3A_346, %mul3A_348 : vector<16xf32>
        %swap3A_350 = arith.index_cast %scan3A_258 : i32 to index
        %swap3A_351 = arith.constant 112 : index
        %swap3A_352 = tpu.vector_load %arg6[%swap3A_350, %swap3A_351] {strides = array<i32>} : memref<128x128xf32, #tpu.memory_space<vmem>>, vector<1x16xf32>,
        %swap3A_353 = vector.shape_cast %swap3A_352 : vector<1x16xf32> to vector<16xf32>
        %swap3A_354 = vector.shape_cast %mul3A_349 : vector<16xf32> to vector<1x16xf32>
        tpu.vector_store %arg6[%swap3A_350, %swap3A_351], %swap3A_354 {strides = array<i32>} : memref<128x128xf32, #tpu.memory_space<vmem>>, vector<1x16xf32>,
      }
      %scan3A_64 = arith.constant 128 : i32
      %mul3A_65 = arith.constant 128 : i32
      %mul3A_66 = arith.muli %add3A_48, %mul3A_65 : i32
      %add3A_67 = arith.addi %mul3A_2, %mul3A_66 : i32
      %dma_start3A_68 = arith.constant 0 : i32
      %dma_start3A_69 = tpu.memref_slice %arg4[%add3A_67, %dma_start3A_68] : memref<819200x128xf32, #tpu.memory_space<hbm>> -> memref<128x128xf32, #tpu.memory_space<hbm>>
      %dma_start3A_70 = arith.constant 0 : i32
      %dma_start3A_71 = tpu.memref_slice %arg4[%add3A_67, %dma_start3A_70] : memref<819200x128xf32, #tpu.memory_space<hbm>> -> memref<128x128xf32, #tpu.memory_space<hbm>>
      tpu.enqueue_dma source(%arg6 : memref<128x128xf32, #tpu.memory_space<vmem>>) target(%dma_start3A_71 : memref<128x128xf32, #tpu.memory_space<hbm>>) target_semaphore(%arg14 : memref<!tpu.dma_semaphore, #tpu.memory_space<semaphore_mem>>)
      %mul3A_72 = arith.constant 4 : i32
      %mul3A_73 = arith.muli %mul3A_72, %scan3A_44 : i32
      %add3A_74 = arith.constant 1 : i32
      %add3A_75 = arith.addi %mul3A_73, %add3A_74 : i32
      %add3A_76 = arith.constant 2 : i32
      %add3A_77 = arith.addi %add3A_75, %add3A_76 : i32
      %lt3A_78 = arith.constant 200 : i32
      %lt3A_79 = arith.cmpi slt, %add3A_77, %lt3A_78 : i32
      %convert_element_type3A_80 = arith.extui %lt3A_79 : i1 to i32
      %cond3A_81 = arith.constant 0 : i32
      %cond3A_82 = arith.cmpi ne, %convert_element_type3A_80, %cond3A_81 : i32
      scf.if %cond3A_82 {
        %ge3A = arith.constant 2 : i32
        %ge3A_162 = arith.cmpi sge, %add3A_75, %ge3A : i32
        %convert_element_type3A_163 = arith.extui %ge3A_162 : i1 to i32
        %cond3A_164 = arith.constant 0 : i32
        %cond3A_165 = arith.cmpi ne, %convert_element_type3A_163, %cond3A_164 : i32
        scf.if %cond3A_165 {
          %add3A_174 = arith.constant 2 : i32
          %add3A_175 = arith.addi %add3A_75, %add3A_174 : i32
          %sub3A = arith.constant 4 : i32
          %sub3A_176 = arith.subi %add3A_175, %sub3A : i32
          %mul3A_177 = arith.constant 128 : i32
          %mul3A_178 = arith.muli %sub3A_176, %mul3A_177 : i32
          %add3A_179 = arith.addi %mul3A_2, %mul3A_178 : i32
          %dma_wait3A_180 = arith.constant 0 : i32
          %dma_wait3A_181 = tpu.memref_slice %arg4[%add3A_179, %dma_wait3A_180] : memref<819200x128xf32, #tpu.memory_space<hbm>> -> memref<128x128xf32, #tpu.memory_space<hbm>>
          %dma_wait3A_182 = arith.constant 0 : i32
          %dma_wait3A_183 = tpu.memref_slice %arg4[%add3A_179, %dma_wait3A_182] : memref<819200x128xf32, #tpu.memory_space<hbm>> -> memref<128x128xf32, #tpu.memory_space<hbm>>
          tpu.wait_dma2 semaphore(%arg17 : memref<!tpu.dma_semaphore, #tpu.memory_space<semaphore_mem>>) src(%arg9 : memref<128x128xf32, #tpu.memory_space<vmem>>) dst(%dma_wait3A_183 : memref<128x128xf32, #tpu.memory_space<hbm>>)
        } else {
        }
        %add3A_166 = arith.constant 2 : i32
        %add3A_167 = arith.addi %add3A_75, %add3A_166 : i32
        %dma_start3A_168 = arith.constant 0 : i32
        %dma_start3A_169 = tpu.memref_slice %arg5[%add3A_167, %dma_start3A_168] : memref<200x128xi32, #tpu.memory_space<vmem>> -> memref<1x128xi32, #tpu.memory_space<vmem>>
        %dma_start3A_170 = tpu.memref_squeeze %dma_start3A_169 : memref<1x128xi32, #tpu.memory_space<vmem>> -> memref<128xi32, #tpu.memory_space<vmem>>
        %dma_start3A_171 = arith.constant 0 : i32
        %dma_start3A_172 = arith.constant 0 : i32
        %dma_start3A_173 = tpu.memref_slice %arg3[%dma_start3A_171, %dma_start3A_172] : memref<100000x128xf32, #tpu.memory_space<hbm>> -> memref<100000x128xf32, #tpu.memory_space<hbm>>
        tpu.enqueue_indirect_dma source(%dma_start3A_173 : memref<100000x128xf32, #tpu.memory_space<hbm>>) target(%arg9 : memref<128x128xf32, #tpu.memory_space<vmem>>) offsets(%dma_start3A_170 : memref<128xi32, #tpu.memory_space<vmem>>) semaphore(%arg13 : memref<!tpu.dma_semaphore, #tpu.memory_space<semaphore_mem>>)
      } else {
      }
      %dma_wait3A_83 = arith.constant 0 : i32
      %dma_wait3A_84 = tpu.memref_slice %arg5[%add3A_75, %dma_wait3A_83] : memref<200x128xi32, #tpu.memory_space<vmem>> -> memref<1x128xi32, #tpu.memory_space<vmem>>
      %dma_wait3A_85 = tpu.memref_squeeze %dma_wait3A_84 : memref<1x128xi32, #tpu.memory_space<vmem>> -> memref<128xi32, #tpu.memory_space<vmem>>
      %dma_wait3A_86 = arith.constant 0 : i32
      %dma_wait3A_87 = arith.constant 0 : i32
      %dma_wait3A_88 = tpu.memref_slice %arg3[%dma_wait3A_86, %dma_wait3A_87] : memref<100000x128xf32, #tpu.memory_space<hbm>> -> memref<100000x128xf32, #tpu.memory_space<hbm>>
      tpu.wait_indirect_dma semaphore(%arg11 : memref<!tpu.dma_semaphore, #tpu.memory_space<semaphore_mem>>) src(%dma_wait3A_88 : memref<100000x128xf32, #tpu.memory_space<hbm>>) dst(%arg7 : memref<128x128xf32, #tpu.memory_space<vmem>>)
      %scan3A_89 = arith.constant 0 : i32
      %scan3A_90 = arith.constant 0 : i32
      %scan3A_91 = arith.constant 128 : i32
      %scan3A_92 = arith.addi %scan3A_90, %scan3A_91 : i32
      %scan3A_93 = arith.constant 2 : i32
      scf.for %scan3A_162 = %scan3A_90 to %scan3A_92 step %scan3A_93  : i32 {
        %get3A = arith.index_cast %scan3A_162 : i32 to index
        %get3A_163 = arith.constant 0 : index
        %get3A_164 = tpu.vector_load %arg7[%get3A, %get3A_163] {strides = array<i32>} : memref<128x128xf32, #tpu.memory_space<vmem>>, vector<1x16xf32>,
        %get3A_165 = vector.shape_cast %get3A_164 : vector<1x16xf32> to vector<16xf32>
        %mul3A_166 = arith.constant 11.3137083 : f32
        %mul3A_167 = vector.broadcast %mul3A_166 : f32 to vector<16xf32>
        %mul3A_168 = arith.mulf %get3A_165, %mul3A_167 : vector<16xf32>
        %swap3A = arith.index_cast %scan3A_162 : i32 to index
        %swap3A_169 = arith.constant 0 : index
        %swap3A_170 = tpu.vector_load %arg7[%swap3A, %swap3A_169] {strides = array<i32>} : memref<128x128xf32, #tpu.memory_space<vmem>>, vector<1x16xf32>,
        %swap3A_171 = vector.shape_cast %swap3A_170 : vector<1x16xf32> to vector<16xf32>
        %swap3A_172 = vector.shape_cast %mul3A_168 : vector<16xf32> to vector<1x16xf32>
        tpu.vector_store %arg7[%swap3A, %swap3A_169], %swap3A_172 {strides = array<i32>} : memref<128x128xf32, #tpu.memory_space<vmem>>, vector<1x16xf32>,
        %get3A_173 = arith.index_cast %scan3A_162 : i32 to index
        %get3A_174 = arith.constant 16 : index
        %get3A_175 = tpu.vector_load %arg7[%get3A_173, %get3A_174] {strides = array<i32>} : memref<128x128xf32, #tpu.memory_space<vmem>>, vector<1x16xf32>,
        %get3A_176 = vector.shape_cast %get3A_175 : vector<1x16xf32> to vector<16xf32>
        %mul3A_177 = arith.constant 11.3137083 : f32
        %mul3A_178 = vector.broadcast %mul3A_177 : f32 to vector<16xf32>
        %mul3A_179 = arith.mulf %get3A_176, %mul3A_178 : vector<16xf32>
        %swap3A_180 = arith.index_cast %scan3A_162 : i32 to index
        %swap3A_181 = arith.constant 16 : index
        %swap3A_182 = tpu.vector_load %arg7[%swap3A_180, %swap3A_181] {strides = array<i32>} : memref<128x128xf32, #tpu.memory_space<vmem>>, vector<1x16xf32>,
        %swap3A_183 = vector.shape_cast %swap3A_182 : vector<1x16xf32> to vector<16xf32>
        %swap3A_184 = vector.shape_cast %mul3A_179 : vector<16xf32> to vector<1x16xf32>
        tpu.vector_store %arg7[%swap3A_180, %swap3A_181], %swap3A_184 {strides = array<i32>} : memref<128x128xf32, #tpu.memory_space<vmem>>, vector<1x16xf32>,
        %get3A_185 = arith.index_cast %scan3A_162 : i32 to index
        %get3A_186 = arith.constant 32 : index
        %get3A_187 = tpu.vector_load %arg7[%get3A_185, %get3A_186] {strides = array<i32>} : memref<128x128xf32, #tpu.memory_space<vmem>>, vector<1x16xf32>,
        %get3A_188 = vector.shape_cast %get3A_187 : vector<1x16xf32> to vector<16xf32>
        %mul3A_189 = arith.constant 11.3137083 : f32
        %mul3A_190 = vector.broadcast %mul3A_189 : f32 to vector<16xf32>
        %mul3A_191 = arith.mulf %get3A_188, %mul3A_190 : vector<16xf32>
        %swap3A_192 = arith.index_cast %scan3A_162 : i32 to index
        %swap3A_193 = arith.constant 32 : index
        %swap3A_194 = tpu.vector_load %arg7[%swap3A_192, %swap3A_193] {strides = array<i32>} : memref<128x128xf32, #tpu.memory_space<vmem>>, vector<1x16xf32>,
        %swap3A_195 = vector.shape_cast %swap3A_194 : vector<1x16xf32> to vector<16xf32>
        %swap3A_196 = vector.shape_cast %mul3A_191 : vector<16xf32> to vector<1x16xf32>
        tpu.vector_store %arg7[%swap3A_192, %swap3A_193], %swap3A_196 {strides = array<i32>} : memref<128x128xf32, #tpu.memory_space<vmem>>, vector<1x16xf32>,
        %get3A_197 = arith.index_cast %scan3A_162 : i32 to index
        %get3A_198 = arith.constant 48 : index
        %get3A_199 = tpu.vector_load %arg7[%get3A_197, %get3A_198] {strides = array<i32>} : memref<128x128xf32, #tpu.memory_space<vmem>>, vector<1x16xf32>,
        %get3A_200 = vector.shape_cast %get3A_199 : vector<1x16xf32> to vector<16xf32>
        %mul3A_201 = arith.constant 11.3137083 : f32
        %mul3A_202 = vector.broadcast %mul3A_201 : f32 to vector<16xf32>
        %mul3A_203 = arith.mulf %get3A_200, %mul3A_202 : vector<16xf32>
        %swap3A_204 = arith.index_cast %scan3A_162 : i32 to index
        %swap3A_205 = arith.constant 48 : index
        %swap3A_206 = tpu.vector_load %arg7[%swap3A_204, %swap3A_205] {strides = array<i32>} : memref<128x128xf32, #tpu.memory_space<vmem>>, vector<1x16xf32>,
        %swap3A_207 = vector.shape_cast %swap3A_206 : vector<1x16xf32> to vector<16xf32>
        %swap3A_208 = vector.shape_cast %mul3A_203 : vector<16xf32> to vector<1x16xf32>
        tpu.vector_store %arg7[%swap3A_204, %swap3A_205], %swap3A_208 {strides = array<i32>} : memref<128x128xf32, #tpu.memory_space<vmem>>, vector<1x16xf32>,
        %get3A_209 = arith.index_cast %scan3A_162 : i32 to index
        %get3A_210 = arith.constant 64 : index
        %get3A_211 = tpu.vector_load %arg7[%get3A_209, %get3A_210] {strides = array<i32>} : memref<128x128xf32, #tpu.memory_space<vmem>>, vector<1x16xf32>,
        %get3A_212 = vector.shape_cast %get3A_211 : vector<1x16xf32> to vector<16xf32>
        %mul3A_213 = arith.constant 11.3137083 : f32
        %mul3A_214 = vector.broadcast %mul3A_213 : f32 to vector<16xf32>
        %mul3A_215 = arith.mulf %get3A_212, %mul3A_214 : vector<16xf32>
        %swap3A_216 = arith.index_cast %scan3A_162 : i32 to index
        %swap3A_217 = arith.constant 64 : index
        %swap3A_218 = tpu.vector_load %arg7[%swap3A_216, %swap3A_217] {strides = array<i32>} : memref<128x128xf32, #tpu.memory_space<vmem>>, vector<1x16xf32>,
        %swap3A_219 = vector.shape_cast %swap3A_218 : vector<1x16xf32> to vector<16xf32>
        %swap3A_220 = vector.shape_cast %mul3A_215 : vector<16xf32> to vector<1x16xf32>
        tpu.vector_store %arg7[%swap3A_216, %swap3A_217], %swap3A_220 {strides = array<i32>} : memref<128x128xf32, #tpu.memory_space<vmem>>, vector<1x16xf32>,
        %get3A_221 = arith.index_cast %scan3A_162 : i32 to index
        %get3A_222 = arith.constant 80 : index
        %get3A_223 = tpu.vector_load %arg7[%get3A_221, %get3A_222] {strides = array<i32>} : memref<128x128xf32, #tpu.memory_space<vmem>>, vector<1x16xf32>,
        %get3A_224 = vector.shape_cast %get3A_223 : vector<1x16xf32> to vector<16xf32>
        %mul3A_225 = arith.constant 11.3137083 : f32
        %mul3A_226 = vector.broadcast %mul3A_225 : f32 to vector<16xf32>
        %mul3A_227 = arith.mulf %get3A_224, %mul3A_226 : vector<16xf32>
        %swap3A_228 = arith.index_cast %scan3A_162 : i32 to index
        %swap3A_229 = arith.constant 80 : index
        %swap3A_230 = tpu.vector_load %arg7[%swap3A_228, %swap3A_229] {strides = array<i32>} : memref<128x128xf32, #tpu.memory_space<vmem>>, vector<1x16xf32>,
        %swap3A_231 = vector.shape_cast %swap3A_230 : vector<1x16xf32> to vector<16xf32>
        %swap3A_232 = vector.shape_cast %mul3A_227 : vector<16xf32> to vector<1x16xf32>
        tpu.vector_store %arg7[%swap3A_228, %swap3A_229], %swap3A_232 {strides = array<i32>} : memref<128x128xf32, #tpu.memory_space<vmem>>, vector<1x16xf32>,
        %get3A_233 = arith.index_cast %scan3A_162 : i32 to index
        %get3A_234 = arith.constant 96 : index
        %get3A_235 = tpu.vector_load %arg7[%get3A_233, %get3A_234] {strides = array<i32>} : memref<128x128xf32, #tpu.memory_space<vmem>>, vector<1x16xf32>,
        %get3A_236 = vector.shape_cast %get3A_235 : vector<1x16xf32> to vector<16xf32>
        %mul3A_237 = arith.constant 11.3137083 : f32
        %mul3A_238 = vector.broadcast %mul3A_237 : f32 to vector<16xf32>
        %mul3A_239 = arith.mulf %get3A_236, %mul3A_238 : vector<16xf32>
        %swap3A_240 = arith.index_cast %scan3A_162 : i32 to index
        %swap3A_241 = arith.constant 96 : index
        %swap3A_242 = tpu.vector_load %arg7[%swap3A_240, %swap3A_241] {strides = array<i32>} : memref<128x128xf32, #tpu.memory_space<vmem>>, vector<1x16xf32>,
        %swap3A_243 = vector.shape_cast %swap3A_242 : vector<1x16xf32> to vector<16xf32>
        %swap3A_244 = vector.shape_cast %mul3A_239 : vector<16xf32> to vector<1x16xf32>
        tpu.vector_store %arg7[%swap3A_240, %swap3A_241], %swap3A_244 {strides = array<i32>} : memref<128x128xf32, #tpu.memory_space<vmem>>, vector<1x16xf32>,
        %get3A_245 = arith.index_cast %scan3A_162 : i32 to index
        %get3A_246 = arith.constant 112 : index
        %get3A_247 = tpu.vector_load %arg7[%get3A_245, %get3A_246] {strides = array<i32>} : memref<128x128xf32, #tpu.memory_space<vmem>>, vector<1x16xf32>,
        %get3A_248 = vector.shape_cast %get3A_247 : vector<1x16xf32> to vector<16xf32>
        %mul3A_249 = arith.constant 11.3137083 : f32
        %mul3A_250 = vector.broadcast %mul3A_249 : f32 to vector<16xf32>
        %mul3A_251 = arith.mulf %get3A_248, %mul3A_250 : vector<16xf32>
        %swap3A_252 = arith.index_cast %scan3A_162 : i32 to index
        %swap3A_253 = arith.constant 112 : index
        %swap3A_254 = tpu.vector_load %arg7[%swap3A_252, %swap3A_253] {strides = array<i32>} : memref<128x128xf32, #tpu.memory_space<vmem>>, vector<1x16xf32>,
        %swap3A_255 = vector.shape_cast %swap3A_254 : vector<1x16xf32> to vector<16xf32>
        %swap3A_256 = vector.shape_cast %mul3A_251 : vector<16xf32> to vector<1x16xf32>
        tpu.vector_store %arg7[%swap3A_252, %swap3A_253], %swap3A_256 {strides = array<i32>} : memref<128x128xf32, #tpu.memory_space<vmem>>, vector<1x16xf32>,
        %scan3A_257 = arith.constant 1 : i32
        %scan3A_258 = arith.addi %scan3A_162, %scan3A_257 : i32
        %get3A_259 = arith.index_cast %scan3A_258 : i32 to index
        %get3A_260 = arith.constant 0 : index
        %get3A_261 = tpu.vector_load %arg7[%get3A_259, %get3A_260] {strides = array<i32>} : memref<128x128xf32, #tpu.memory_space<vmem>>, vector<1x16xf32>,
        %get3A_262 = vector.shape_cast %get3A_261 : vector<1x16xf32> to vector<16xf32>
        %mul3A_263 = arith.constant 11.3137083 : f32
        %mul3A_264 = vector.broadcast %mul3A_263 : f32 to vector<16xf32>
        %mul3A_265 = arith.mulf %get3A_262, %mul3A_264 : vector<16xf32>
        %swap3A_266 = arith.index_cast %scan3A_258 : i32 to index
        %swap3A_267 = arith.constant 0 : index
        %swap3A_268 = tpu.vector_load %arg7[%swap3A_266, %swap3A_267] {strides = array<i32>} : memref<128x128xf32, #tpu.memory_space<vmem>>, vector<1x16xf32>,
        %swap3A_269 = vector.shape_cast %swap3A_268 : vector<1x16xf32> to vector<16xf32>
        %swap3A_270 = vector.shape_cast %mul3A_265 : vector<16xf32> to vector<1x16xf32>
        tpu.vector_store %arg7[%swap3A_266, %swap3A_267], %swap3A_270 {strides = array<i32>} : memref<128x128xf32, #tpu.memory_space<vmem>>, vector<1x16xf32>,
        %get3A_271 = arith.index_cast %scan3A_258 : i32 to index
        %get3A_272 = arith.constant 16 : index
        %get3A_273 = tpu.vector_load %arg7[%get3A_271, %get3A_272] {strides = array<i32>} : memref<128x128xf32, #tpu.memory_space<vmem>>, vector<1x16xf32>,
        %get3A_274 = vector.shape_cast %get3A_273 : vector<1x16xf32> to vector<16xf32>
        %mul3A_275 = arith.constant 11.3137083 : f32
        %mul3A_276 = vector.broadcast %mul3A_275 : f32 to vector<16xf32>
        %mul3A_277 = arith.mulf %get3A_274, %mul3A_276 : vector<16xf32>
        %swap3A_278 = arith.index_cast %scan3A_258 : i32 to index
        %swap3A_279 = arith.constant 16 : index
        %swap3A_280 = tpu.vector_load %arg7[%swap3A_278, %swap3A_279] {strides = array<i32>} : memref<128x128xf32, #tpu.memory_space<vmem>>, vector<1x16xf32>,
        %swap3A_281 = vector.shape_cast %swap3A_280 : vector<1x16xf32> to vector<16xf32>
        %swap3A_282 = vector.shape_cast %mul3A_277 : vector<16xf32> to vector<1x16xf32>
        tpu.vector_store %arg7[%swap3A_278, %swap3A_279], %swap3A_282 {strides = array<i32>} : memref<128x128xf32, #tpu.memory_space<vmem>>, vector<1x16xf32>,
        %get3A_283 = arith.index_cast %scan3A_258 : i32 to index
        %get3A_284 = arith.constant 32 : index
        %get3A_285 = tpu.vector_load %arg7[%get3A_283, %get3A_284] {strides = array<i32>} : memref<128x128xf32, #tpu.memory_space<vmem>>, vector<1x16xf32>,
        %get3A_286 = vector.shape_cast %get3A_285 : vector<1x16xf32> to vector<16xf32>
        %mul3A_287 = arith.constant 11.3137083 : f32
        %mul3A_288 = vector.broadcast %mul3A_287 : f32 to vector<16xf32>
        %mul3A_289 = arith.mulf %get3A_286, %mul3A_288 : vector<16xf32>
        %swap3A_290 = arith.index_cast %scan3A_258 : i32 to index
        %swap3A_291 = arith.constant 32 : index
        %swap3A_292 = tpu.vector_load %arg7[%swap3A_290, %swap3A_291] {strides = array<i32>} : memref<128x128xf32, #tpu.memory_space<vmem>>, vector<1x16xf32>,
        %swap3A_293 = vector.shape_cast %swap3A_292 : vector<1x16xf32> to vector<16xf32>
        %swap3A_294 = vector.shape_cast %mul3A_289 : vector<16xf32> to vector<1x16xf32>
        tpu.vector_store %arg7[%swap3A_290, %swap3A_291], %swap3A_294 {strides = array<i32>} : memref<128x128xf32, #tpu.memory_space<vmem>>, vector<1x16xf32>,
        %get3A_295 = arith.index_cast %scan3A_258 : i32 to index
        %get3A_296 = arith.constant 48 : index
        %get3A_297 = tpu.vector_load %arg7[%get3A_295, %get3A_296] {strides = array<i32>} : memref<128x128xf32, #tpu.memory_space<vmem>>, vector<1x16xf32>,
        %get3A_298 = vector.shape_cast %get3A_297 : vector<1x16xf32> to vector<16xf32>
        %mul3A_299 = arith.constant 11.3137083 : f32
        %mul3A_300 = vector.broadcast %mul3A_299 : f32 to vector<16xf32>
        %mul3A_301 = arith.mulf %get3A_298, %mul3A_300 : vector<16xf32>
        %swap3A_302 = arith.index_cast %scan3A_258 : i32 to index
        %swap3A_303 = arith.constant 48 : index
        %swap3A_304 = tpu.vector_load %arg7[%swap3A_302, %swap3A_303] {strides = array<i32>} : memref<128x128xf32, #tpu.memory_space<vmem>>, vector<1x16xf32>,
        %swap3A_305 = vector.shape_cast %swap3A_304 : vector<1x16xf32> to vector<16xf32>
        %swap3A_306 = vector.shape_cast %mul3A_301 : vector<16xf32> to vector<1x16xf32>
        tpu.vector_store %arg7[%swap3A_302, %swap3A_303], %swap3A_306 {strides = array<i32>} : memref<128x128xf32, #tpu.memory_space<vmem>>, vector<1x16xf32>,
        %get3A_307 = arith.index_cast %scan3A_258 : i32 to index
        %get3A_308 = arith.constant 64 : index
        %get3A_309 = tpu.vector_load %arg7[%get3A_307, %get3A_308] {strides = array<i32>} : memref<128x128xf32, #tpu.memory_space<vmem>>, vector<1x16xf32>,
        %get3A_310 = vector.shape_cast %get3A_309 : vector<1x16xf32> to vector<16xf32>
        %mul3A_311 = arith.constant 11.3137083 : f32
        %mul3A_312 = vector.broadcast %mul3A_311 : f32 to vector<16xf32>
        %mul3A_313 = arith.mulf %get3A_310, %mul3A_312 : vector<16xf32>
        %swap3A_314 = arith.index_cast %scan3A_258 : i32 to index
        %swap3A_315 = arith.constant 64 : index
        %swap3A_316 = tpu.vector_load %arg7[%swap3A_314, %swap3A_315] {strides = array<i32>} : memref<128x128xf32, #tpu.memory_space<vmem>>, vector<1x16xf32>,
        %swap3A_317 = vector.shape_cast %swap3A_316 : vector<1x16xf32> to vector<16xf32>
        %swap3A_318 = vector.shape_cast %mul3A_313 : vector<16xf32> to vector<1x16xf32>
        tpu.vector_store %arg7[%swap3A_314, %swap3A_315], %swap3A_318 {strides = array<i32>} : memref<128x128xf32, #tpu.memory_space<vmem>>, vector<1x16xf32>,
        %get3A_319 = arith.index_cast %scan3A_258 : i32 to index
        %get3A_320 = arith.constant 80 : index
        %get3A_321 = tpu.vector_load %arg7[%get3A_319, %get3A_320] {strides = array<i32>} : memref<128x128xf32, #tpu.memory_space<vmem>>, vector<1x16xf32>,
        %get3A_322 = vector.shape_cast %get3A_321 : vector<1x16xf32> to vector<16xf32>
        %mul3A_323 = arith.constant 11.3137083 : f32
        %mul3A_324 = vector.broadcast %mul3A_323 : f32 to vector<16xf32>
        %mul3A_325 = arith.mulf %get3A_322, %mul3A_324 : vector<16xf32>
        %swap3A_326 = arith.index_cast %scan3A_258 : i32 to index
        %swap3A_327 = arith.constant 80 : index
        %swap3A_328 = tpu.vector_load %arg7[%swap3A_326, %swap3A_327] {strides = array<i32>} : memref<128x128xf32, #tpu.memory_space<vmem>>, vector<1x16xf32>,
        %swap3A_329 = vector.shape_cast %swap3A_328 : vector<1x16xf32> to vector<16xf32>
        %swap3A_330 = vector.shape_cast %mul3A_325 : vector<16xf32> to vector<1x16xf32>
        tpu.vector_store %arg7[%swap3A_326, %swap3A_327], %swap3A_330 {strides = array<i32>} : memref<128x128xf32, #tpu.memory_space<vmem>>, vector<1x16xf32>,
        %get3A_331 = arith.index_cast %scan3A_258 : i32 to index
        %get3A_332 = arith.constant 96 : index
        %get3A_333 = tpu.vector_load %arg7[%get3A_331, %get3A_332] {strides = array<i32>} : memref<128x128xf32, #tpu.memory_space<vmem>>, vector<1x16xf32>,
        %get3A_334 = vector.shape_cast %get3A_333 : vector<1x16xf32> to vector<16xf32>
        %mul3A_335 = arith.constant 11.3137083 : f32
        %mul3A_336 = vector.broadcast %mul3A_335 : f32 to vector<16xf32>
        %mul3A_337 = arith.mulf %get3A_334, %mul3A_336 : vector<16xf32>
        %swap3A_338 = arith.index_cast %scan3A_258 : i32 to index
        %swap3A_339 = arith.constant 96 : index
        %swap3A_340 = tpu.vector_load %arg7[%swap3A_338, %swap3A_339] {strides = array<i32>} : memref<128x128xf32, #tpu.memory_space<vmem>>, vector<1x16xf32>,
        %swap3A_341 = vector.shape_cast %swap3A_340 : vector<1x16xf32> to vector<16xf32>
        %swap3A_342 = vector.shape_cast %mul3A_337 : vector<16xf32> to vector<1x16xf32>
        tpu.vector_store %arg7[%swap3A_338, %swap3A_339], %swap3A_342 {strides = array<i32>} : memref<128x128xf32, #tpu.memory_space<vmem>>, vector<1x16xf32>,
        %get3A_343 = arith.index_cast %scan3A_258 : i32 to index
        %get3A_344 = arith.constant 112 : index
        %get3A_345 = tpu.vector_load %arg7[%get3A_343, %get3A_344] {strides = array<i32>} : memref<128x128xf32, #tpu.memory_space<vmem>>, vector<1x16xf32>,
        %get3A_346 = vector.shape_cast %get3A_345 : vector<1x16xf32> to vector<16xf32>
        %mul3A_347 = arith.constant 11.3137083 : f32
        %mul3A_348 = vector.broadcast %mul3A_347 : f32 to vector<16xf32>
        %mul3A_349 = arith.mulf %get3A_346, %mul3A_348 : vector<16xf32>
        %swap3A_350 = arith.index_cast %scan3A_258 : i32 to index
        %swap3A_351 = arith.constant 112 : index
        %swap3A_352 = tpu.vector_load %arg7[%swap3A_350, %swap3A_351] {strides = array<i32>} : memref<128x128xf32, #tpu.memory_space<vmem>>, vector<1x16xf32>,
        %swap3A_353 = vector.shape_cast %swap3A_352 : vector<1x16xf32> to vector<16xf32>
        %swap3A_354 = vector.shape_cast %mul3A_349 : vector<16xf32> to vector<1x16xf32>
        tpu.vector_store %arg7[%swap3A_350, %swap3A_351], %swap3A_354 {strides = array<i32>} : memref<128x128xf32, #tpu.memory_space<vmem>>, vector<1x16xf32>,
      }
      %scan3A_94 = arith.constant 128 : i32
      %mul3A_95 = arith.constant 128 : i32
      %mul3A_96 = arith.muli %add3A_75, %mul3A_95 : i32
      %add3A_97 = arith.addi %mul3A_2, %mul3A_96 : i32
      %dma_start3A_98 = arith.constant 0 : i32
      %dma_start3A_99 = tpu.memref_slice %arg4[%add3A_97, %dma_start3A_98] : memref<819200x128xf32, #tpu.memory_space<hbm>> -> memref<128x128xf32, #tpu.memory_space<hbm>>
      %dma_start3A_100 = arith.constant 0 : i32
      %dma_start3A_101 = tpu.memref_slice %arg4[%add3A_97, %dma_start3A_100] : memref<819200x128xf32, #tpu.memory_space<hbm>> -> memref<128x128xf32, #tpu.memory_space<hbm>>
      tpu.enqueue_dma source(%arg7 : memref<128x128xf32, #tpu.memory_space<vmem>>) target(%dma_start3A_101 : memref<128x128xf32, #tpu.memory_space<hbm>>) target_semaphore(%arg15 : memref<!tpu.dma_semaphore, #tpu.memory_space<semaphore_mem>>)
      %mul3A_102 = arith.constant 4 : i32
      %mul3A_103 = arith.muli %mul3A_102, %scan3A_44 : i32
      %add3A_104 = arith.constant 2 : i32
      %add3A_105 = arith.addi %mul3A_103, %add3A_104 : i32
      %add3A_106 = arith.constant 2 : i32
      %add3A_107 = arith.addi %add3A_105, %add3A_106 : i32
      %lt3A_108 = arith.constant 200 : i32
      %lt3A_109 = arith.cmpi slt, %add3A_107, %lt3A_108 : i32
      %convert_element_type3A_110 = arith.extui %lt3A_109 : i1 to i32
      %cond3A_111 = arith.constant 0 : i32
      %cond3A_112 = arith.cmpi ne, %convert_element_type3A_110, %cond3A_111 : i32
      scf.if %cond3A_112 {
        %ge3A = arith.constant 2 : i32
        %ge3A_162 = arith.cmpi sge, %add3A_105, %ge3A : i32
        %convert_element_type3A_163 = arith.extui %ge3A_162 : i1 to i32
        %cond3A_164 = arith.constant 0 : i32
        %cond3A_165 = arith.cmpi ne, %convert_element_type3A_163, %cond3A_164 : i32
        scf.if %cond3A_165 {
          %add3A_174 = arith.constant 2 : i32
          %add3A_175 = arith.addi %add3A_105, %add3A_174 : i32
          %sub3A = arith.constant 4 : i32
          %sub3A_176 = arith.subi %add3A_175, %sub3A : i32
          %mul3A_177 = arith.constant 128 : i32
          %mul3A_178 = arith.muli %sub3A_176, %mul3A_177 : i32
          %add3A_179 = arith.addi %mul3A_2, %mul3A_178 : i32
          %dma_wait3A_180 = arith.constant 0 : i32
          %dma_wait3A_181 = tpu.memref_slice %arg4[%add3A_179, %dma_wait3A_180] : memref<819200x128xf32, #tpu.memory_space<hbm>> -> memref<128x128xf32, #tpu.memory_space<hbm>>
          %dma_wait3A_182 = arith.constant 0 : i32
          %dma_wait3A_183 = tpu.memref_slice %arg4[%add3A_179, %dma_wait3A_182] : memref<819200x128xf32, #tpu.memory_space<hbm>> -> memref<128x128xf32, #tpu.memory_space<hbm>>
          tpu.wait_dma2 semaphore(%arg14 : memref<!tpu.dma_semaphore, #tpu.memory_space<semaphore_mem>>) src(%arg6 : memref<128x128xf32, #tpu.memory_space<vmem>>) dst(%dma_wait3A_183 : memref<128x128xf32, #tpu.memory_space<hbm>>)
        } else {
        }
        %add3A_166 = arith.constant 2 : i32
        %add3A_167 = arith.addi %add3A_105, %add3A_166 : i32
        %dma_start3A_168 = arith.constant 0 : i32
        %dma_start3A_169 = tpu.memref_slice %arg5[%add3A_167, %dma_start3A_168] : memref<200x128xi32, #tpu.memory_space<vmem>> -> memref<1x128xi32, #tpu.memory_space<vmem>>
        %dma_start3A_170 = tpu.memref_squeeze %dma_start3A_169 : memref<1x128xi32, #tpu.memory_space<vmem>> -> memref<128xi32, #tpu.memory_space<vmem>>
        %dma_start3A_171 = arith.constant 0 : i32
        %dma_start3A_172 = arith.constant 0 : i32
        %dma_start3A_173 = tpu.memref_slice %arg3[%dma_start3A_171, %dma_start3A_172] : memref<100000x128xf32, #tpu.memory_space<hbm>> -> memref<100000x128xf32, #tpu.memory_space<hbm>>
        tpu.enqueue_indirect_dma source(%dma_start3A_173 : memref<100000x128xf32, #tpu.memory_space<hbm>>) target(%arg6 : memref<128x128xf32, #tpu.memory_space<vmem>>) offsets(%dma_start3A_170 : memref<128xi32, #tpu.memory_space<vmem>>) semaphore(%arg10 : memref<!tpu.dma_semaphore, #tpu.memory_space<semaphore_mem>>)
      } else {
      }
      %dma_wait3A_113 = arith.constant 0 : i32
      %dma_wait3A_114 = tpu.memref_slice %arg5[%add3A_105, %dma_wait3A_113] : memref<200x128xi32, #tpu.memory_space<vmem>> -> memref<1x128xi32, #tpu.memory_space<vmem>>
      %dma_wait3A_115 = tpu.memref_squeeze %dma_wait3A_114 : memref<1x128xi32, #tpu.memory_space<vmem>> -> memref<128xi32, #tpu.memory_space<vmem>>
      %dma_wait3A_116 = arith.constant 0 : i32
      %dma_wait3A_117 = arith.constant 0 : i32
      %dma_wait3A_118 = tpu.memref_slice %arg3[%dma_wait3A_116, %dma_wait3A_117] : memref<100000x128xf32, #tpu.memory_space<hbm>> -> memref<100000x128xf32, #tpu.memory_space<hbm>>
      tpu.wait_indirect_dma semaphore(%arg12 : memref<!tpu.dma_semaphore, #tpu.memory_space<semaphore_mem>>) src(%dma_wait3A_118 : memref<100000x128xf32, #tpu.memory_space<hbm>>) dst(%arg8 : memref<128x128xf32, #tpu.memory_space<vmem>>)
      %scan3A_119 = arith.constant 0 : i32
      %scan3A_120 = arith.constant 0 : i32
      %scan3A_121 = arith.constant 128 : i32
      %scan3A_122 = arith.addi %scan3A_120, %scan3A_121 : i32
      %scan3A_123 = arith.constant 2 : i32
      scf.for %scan3A_162 = %scan3A_120 to %scan3A_122 step %scan3A_123  : i32 {
        %get3A = arith.index_cast %scan3A_162 : i32 to index
        %get3A_163 = arith.constant 0 : index
        %get3A_164 = tpu.vector_load %arg8[%get3A, %get3A_163] {strides = array<i32>} : memref<128x128xf32, #tpu.memory_space<vmem>>, vector<1x16xf32>,
        %get3A_165 = vector.shape_cast %get3A_164 : vector<1x16xf32> to vector<16xf32>
        %mul3A_166 = arith.constant 11.3137083 : f32
        %mul3A_167 = vector.broadcast %mul3A_166 : f32 to vector<16xf32>
        %mul3A_168 = arith.mulf %get3A_165, %mul3A_167 : vector<16xf32>
        %swap3A = arith.index_cast %scan3A_162 : i32 to index
        %swap3A_169 = arith.constant 0 : index
        %swap3A_170 = tpu.vector_load %arg8[%swap3A, %swap3A_169] {strides = array<i32>} : memref<128x128xf32, #tpu.memory_space<vmem>>, vector<1x16xf32>,
        %swap3A_171 = vector.shape_cast %swap3A_170 : vector<1x16xf32> to vector<16xf32>
        %swap3A_172 = vector.shape_cast %mul3A_168 : vector<16xf32> to vector<1x16xf32>
        tpu.vector_store %arg8[%swap3A, %swap3A_169], %swap3A_172 {strides = array<i32>} : memref<128x128xf32, #tpu.memory_space<vmem>>, vector<1x16xf32>,
        %get3A_173 = arith.index_cast %scan3A_162 : i32 to index
        %get3A_174 = arith.constant 16 : index
        %get3A_175 = tpu.vector_load %arg8[%get3A_173, %get3A_174] {strides = array<i32>} : memref<128x128xf32, #tpu.memory_space<vmem>>, vector<1x16xf32>,
        %get3A_176 = vector.shape_cast %get3A_175 : vector<1x16xf32> to vector<16xf32>
        %mul3A_177 = arith.constant 11.3137083 : f32
        %mul3A_178 = vector.broadcast %mul3A_177 : f32 to vector<16xf32>
        %mul3A_179 = arith.mulf %get3A_176, %mul3A_178 : vector<16xf32>
        %swap3A_180 = arith.index_cast %scan3A_162 : i32 to index
        %swap3A_181 = arith.constant 16 : index
        %swap3A_182 = tpu.vector_load %arg8[%swap3A_180, %swap3A_181] {strides = array<i32>} : memref<128x128xf32, #tpu.memory_space<vmem>>, vector<1x16xf32>,
        %swap3A_183 = vector.shape_cast %swap3A_182 : vector<1x16xf32> to vector<16xf32>
        %swap3A_184 = vector.shape_cast %mul3A_179 : vector<16xf32> to vector<1x16xf32>
        tpu.vector_store %arg8[%swap3A_180, %swap3A_181], %swap3A_184 {strides = array<i32>} : memref<128x128xf32, #tpu.memory_space<vmem>>, vector<1x16xf32>,
        %get3A_185 = arith.index_cast %scan3A_162 : i32 to index
        %get3A_186 = arith.constant 32 : index
        %get3A_187 = tpu.vector_load %arg8[%get3A_185, %get3A_186] {strides = array<i32>} : memref<128x128xf32, #tpu.memory_space<vmem>>, vector<1x16xf32>,
        %get3A_188 = vector.shape_cast %get3A_187 : vector<1x16xf32> to vector<16xf32>
        %mul3A_189 = arith.constant 11.3137083 : f32
        %mul3A_190 = vector.broadcast %mul3A_189 : f32 to vector<16xf32>
        %mul3A_191 = arith.mulf %get3A_188, %mul3A_190 : vector<16xf32>
        %swap3A_192 = arith.index_cast %scan3A_162 : i32 to index
        %swap3A_193 = arith.constant 32 : index
        %swap3A_194 = tpu.vector_load %arg8[%swap3A_192, %swap3A_193] {strides = array<i32>} : memref<128x128xf32, #tpu.memory_space<vmem>>, vector<1x16xf32>,
        %swap3A_195 = vector.shape_cast %swap3A_194 : vector<1x16xf32> to vector<16xf32>
        %swap3A_196 = vector.shape_cast %mul3A_191 : vector<16xf32> to vector<1x16xf32>
        tpu.vector_store %arg8[%swap3A_192, %swap3A_193], %swap3A_196 {strides = array<i32>} : memref<128x128xf32, #tpu.memory_space<vmem>>, vector<1x16xf32>,
        %get3A_197 = arith.index_cast %scan3A_162 : i32 to index
        %get3A_198 = arith.constant 48 : index
        %get3A_199 = tpu.vector_load %arg8[%get3A_197, %get3A_198] {strides = array<i32>} : memref<128x128xf32, #tpu.memory_space<vmem>>, vector<1x16xf32>,
        %get3A_200 = vector.shape_cast %get3A_199 : vector<1x16xf32> to vector<16xf32>
        %mul3A_201 = arith.constant 11.3137083 : f32
        %mul3A_202 = vector.broadcast %mul3A_201 : f32 to vector<16xf32>
        %mul3A_203 = arith.mulf %get3A_200, %mul3A_202 : vector<16xf32>
        %swap3A_204 = arith.index_cast %scan3A_162 : i32 to index
        %swap3A_205 = arith.constant 48 : index
        %swap3A_206 = tpu.vector_load %arg8[%swap3A_204, %swap3A_205] {strides = array<i32>} : memref<128x128xf32, #tpu.memory_space<vmem>>, vector<1x16xf32>,
        %swap3A_207 = vector.shape_cast %swap3A_206 : vector<1x16xf32> to vector<16xf32>
        %swap3A_208 = vector.shape_cast %mul3A_203 : vector<16xf32> to vector<1x16xf32>
        tpu.vector_store %arg8[%swap3A_204, %swap3A_205], %swap3A_208 {strides = array<i32>} : memref<128x128xf32, #tpu.memory_space<vmem>>, vector<1x16xf32>,
        %get3A_209 = arith.index_cast %scan3A_162 : i32 to index
        %get3A_210 = arith.constant 64 : index
        %get3A_211 = tpu.vector_load %arg8[%get3A_209, %get3A_210] {strides = array<i32>} : memref<128x128xf32, #tpu.memory_space<vmem>>, vector<1x16xf32>,
        %get3A_212 = vector.shape_cast %get3A_211 : vector<1x16xf32> to vector<16xf32>
        %mul3A_213 = arith.constant 11.3137083 : f32
        %mul3A_214 = vector.broadcast %mul3A_213 : f32 to vector<16xf32>
        %mul3A_215 = arith.mulf %get3A_212, %mul3A_214 : vector<16xf32>
        %swap3A_216 = arith.index_cast %scan3A_162 : i32 to index
        %swap3A_217 = arith.constant 64 : index
        %swap3A_218 = tpu.vector_load %arg8[%swap3A_216, %swap3A_217] {strides = array<i32>} : memref<128x128xf32, #tpu.memory_space<vmem>>, vector<1x16xf32>,
        %swap3A_219 = vector.shape_cast %swap3A_218 : vector<1x16xf32> to vector<16xf32>
        %swap3A_220 = vector.shape_cast %mul3A_215 : vector<16xf32> to vector<1x16xf32>
        tpu.vector_store %arg8[%swap3A_216, %swap3A_217], %swap3A_220 {strides = array<i32>} : memref<128x128xf32, #tpu.memory_space<vmem>>, vector<1x16xf32>,
        %get3A_221 = arith.index_cast %scan3A_162 : i32 to index
        %get3A_222 = arith.constant 80 : index
        %get3A_223 = tpu.vector_load %arg8[%get3A_221, %get3A_222] {strides = array<i32>} : memref<128x128xf32, #tpu.memory_space<vmem>>, vector<1x16xf32>,
        %get3A_224 = vector.shape_cast %get3A_223 : vector<1x16xf32> to vector<16xf32>
        %mul3A_225 = arith.constant 11.3137083 : f32
        %mul3A_226 = vector.broadcast %mul3A_225 : f32 to vector<16xf32>
        %mul3A_227 = arith.mulf %get3A_224, %mul3A_226 : vector<16xf32>
        %swap3A_228 = arith.index_cast %scan3A_162 : i32 to index
        %swap3A_229 = arith.constant 80 : index
        %swap3A_230 = tpu.vector_load %arg8[%swap3A_228, %swap3A_229] {strides = array<i32>} : memref<128x128xf32, #tpu.memory_space<vmem>>, vector<1x16xf32>,
        %swap3A_231 = vector.shape_cast %swap3A_230 : vector<1x16xf32> to vector<16xf32>
        %swap3A_232 = vector.shape_cast %mul3A_227 : vector<16xf32> to vector<1x16xf32>
        tpu.vector_store %arg8[%swap3A_228, %swap3A_229], %swap3A_232 {strides = array<i32>} : memref<128x128xf32, #tpu.memory_space<vmem>>, vector<1x16xf32>,
        %get3A_233 = arith.index_cast %scan3A_162 : i32 to index
        %get3A_234 = arith.constant 96 : index
        %get3A_235 = tpu.vector_load %arg8[%get3A_233, %get3A_234] {strides = array<i32>} : memref<128x128xf32, #tpu.memory_space<vmem>>, vector<1x16xf32>,
        %get3A_236 = vector.shape_cast %get3A_235 : vector<1x16xf32> to vector<16xf32>
        %mul3A_237 = arith.constant 11.3137083 : f32
        %mul3A_238 = vector.broadcast %mul3A_237 : f32 to vector<16xf32>
        %mul3A_239 = arith.mulf %get3A_236, %mul3A_238 : vector<16xf32>
        %swap3A_240 = arith.index_cast %scan3A_162 : i32 to index
        %swap3A_241 = arith.constant 96 : index
        %swap3A_242 = tpu.vector_load %arg8[%swap3A_240, %swap3A_241] {strides = array<i32>} : memref<128x128xf32, #tpu.memory_space<vmem>>, vector<1x16xf32>,
        %swap3A_243 = vector.shape_cast %swap3A_242 : vector<1x16xf32> to vector<16xf32>
        %swap3A_244 = vector.shape_cast %mul3A_239 : vector<16xf32> to vector<1x16xf32>
        tpu.vector_store %arg8[%swap3A_240, %swap3A_241], %swap3A_244 {strides = array<i32>} : memref<128x128xf32, #tpu.memory_space<vmem>>, vector<1x16xf32>,
        %get3A_245 = arith.index_cast %scan3A_162 : i32 to index
        %get3A_246 = arith.constant 112 : index
        %get3A_247 = tpu.vector_load %arg8[%get3A_245, %get3A_246] {strides = array<i32>} : memref<128x128xf32, #tpu.memory_space<vmem>>, vector<1x16xf32>,
        %get3A_248 = vector.shape_cast %get3A_247 : vector<1x16xf32> to vector<16xf32>
        %mul3A_249 = arith.constant 11.3137083 : f32
        %mul3A_250 = vector.broadcast %mul3A_249 : f32 to vector<16xf32>
        %mul3A_251 = arith.mulf %get3A_248, %mul3A_250 : vector<16xf32>
        %swap3A_252 = arith.index_cast %scan3A_162 : i32 to index
        %swap3A_253 = arith.constant 112 : index
        %swap3A_254 = tpu.vector_load %arg8[%swap3A_252, %swap3A_253] {strides = array<i32>} : memref<128x128xf32, #tpu.memory_space<vmem>>, vector<1x16xf32>,
        %swap3A_255 = vector.shape_cast %swap3A_254 : vector<1x16xf32> to vector<16xf32>
        %swap3A_256 = vector.shape_cast %mul3A_251 : vector<16xf32> to vector<1x16xf32>
        tpu.vector_store %arg8[%swap3A_252, %swap3A_253], %swap3A_256 {strides = array<i32>} : memref<128x128xf32, #tpu.memory_space<vmem>>, vector<1x16xf32>,
        %scan3A_257 = arith.constant 1 : i32
        %scan3A_258 = arith.addi %scan3A_162, %scan3A_257 : i32
        %get3A_259 = arith.index_cast %scan3A_258 : i32 to index
        %get3A_260 = arith.constant 0 : index
        %get3A_261 = tpu.vector_load %arg8[%get3A_259, %get3A_260] {strides = array<i32>} : memref<128x128xf32, #tpu.memory_space<vmem>>, vector<1x16xf32>,
        %get3A_262 = vector.shape_cast %get3A_261 : vector<1x16xf32> to vector<16xf32>
        %mul3A_263 = arith.constant 11.3137083 : f32
        %mul3A_264 = vector.broadcast %mul3A_263 : f32 to vector<16xf32>
        %mul3A_265 = arith.mulf %get3A_262, %mul3A_264 : vector<16xf32>
        %swap3A_266 = arith.index_cast %scan3A_258 : i32 to index
        %swap3A_267 = arith.constant 0 : index
        %swap3A_268 = tpu.vector_load %arg8[%swap3A_266, %swap3A_267] {strides = array<i32>} : memref<128x128xf32, #tpu.memory_space<vmem>>, vector<1x16xf32>,
        %swap3A_269 = vector.shape_cast %swap3A_268 : vector<1x16xf32> to vector<16xf32>
        %swap3A_270 = vector.shape_cast %mul3A_265 : vector<16xf32> to vector<1x16xf32>
        tpu.vector_store %arg8[%swap3A_266, %swap3A_267], %swap3A_270 {strides = array<i32>} : memref<128x128xf32, #tpu.memory_space<vmem>>, vector<1x16xf32>,
        %get3A_271 = arith.index_cast %scan3A_258 : i32 to index
        %get3A_272 = arith.constant 16 : index
        %get3A_273 = tpu.vector_load %arg8[%get3A_271, %get3A_272] {strides = array<i32>} : memref<128x128xf32, #tpu.memory_space<vmem>>, vector<1x16xf32>,
        %get3A_274 = vector.shape_cast %get3A_273 : vector<1x16xf32> to vector<16xf32>
        %mul3A_275 = arith.constant 11.3137083 : f32
        %mul3A_276 = vector.broadcast %mul3A_275 : f32 to vector<16xf32>
        %mul3A_277 = arith.mulf %get3A_274, %mul3A_276 : vector<16xf32>
        %swap3A_278 = arith.index_cast %scan3A_258 : i32 to index
        %swap3A_279 = arith.constant 16 : index
        %swap3A_280 = tpu.vector_load %arg8[%swap3A_278, %swap3A_279] {strides = array<i32>} : memref<128x128xf32, #tpu.memory_space<vmem>>, vector<1x16xf32>,
        %swap3A_281 = vector.shape_cast %swap3A_280 : vector<1x16xf32> to vector<16xf32>
        %swap3A_282 = vector.shape_cast %mul3A_277 : vector<16xf32> to vector<1x16xf32>
        tpu.vector_store %arg8[%swap3A_278, %swap3A_279], %swap3A_282 {strides = array<i32>} : memref<128x128xf32, #tpu.memory_space<vmem>>, vector<1x16xf32>,
        %get3A_283 = arith.index_cast %scan3A_258 : i32 to index
        %get3A_284 = arith.constant 32 : index
        %get3A_285 = tpu.vector_load %arg8[%get3A_283, %get3A_284] {strides = array<i32>} : memref<128x128xf32, #tpu.memory_space<vmem>>, vector<1x16xf32>,
        %get3A_286 = vector.shape_cast %get3A_285 : vector<1x16xf32> to vector<16xf32>
        %mul3A_287 = arith.constant 11.3137083 : f32
        %mul3A_288 = vector.broadcast %mul3A_287 : f32 to vector<16xf32>
        %mul3A_289 = arith.mulf %get3A_286, %mul3A_288 : vector<16xf32>
        %swap3A_290 = arith.index_cast %scan3A_258 : i32 to index
        %swap3A_291 = arith.constant 32 : index
        %swap3A_292 = tpu.vector_load %arg8[%swap3A_290, %swap3A_291] {strides = array<i32>} : memref<128x128xf32, #tpu.memory_space<vmem>>, vector<1x16xf32>,
        %swap3A_293 = vector.shape_cast %swap3A_292 : vector<1x16xf32> to vector<16xf32>
        %swap3A_294 = vector.shape_cast %mul3A_289 : vector<16xf32> to vector<1x16xf32>
        tpu.vector_store %arg8[%swap3A_290, %swap3A_291], %swap3A_294 {strides = array<i32>} : memref<128x128xf32, #tpu.memory_space<vmem>>, vector<1x16xf32>,
        %get3A_295 = arith.index_cast %scan3A_258 : i32 to index
        %get3A_296 = arith.constant 48 : index
        %get3A_297 = tpu.vector_load %arg8[%get3A_295, %get3A_296] {strides = array<i32>} : memref<128x128xf32, #tpu.memory_space<vmem>>, vector<1x16xf32>,
        %get3A_298 = vector.shape_cast %get3A_297 : vector<1x16xf32> to vector<16xf32>
        %mul3A_299 = arith.constant 11.3137083 : f32
        %mul3A_300 = vector.broadcast %mul3A_299 : f32 to vector<16xf32>
        %mul3A_301 = arith.mulf %get3A_298, %mul3A_300 : vector<16xf32>
        %swap3A_302 = arith.index_cast %scan3A_258 : i32 to index
        %swap3A_303 = arith.constant 48 : index
        %swap3A_304 = tpu.vector_load %arg8[%swap3A_302, %swap3A_303] {strides = array<i32>} : memref<128x128xf32, #tpu.memory_space<vmem>>, vector<1x16xf32>,
        %swap3A_305 = vector.shape_cast %swap3A_304 : vector<1x16xf32> to vector<16xf32>
        %swap3A_306 = vector.shape_cast %mul3A_301 : vector<16xf32> to vector<1x16xf32>
        tpu.vector_store %arg8[%swap3A_302, %swap3A_303], %swap3A_306 {strides = array<i32>} : memref<128x128xf32, #tpu.memory_space<vmem>>, vector<1x16xf32>,
        %get3A_307 = arith.index_cast %scan3A_258 : i32 to index
        %get3A_308 = arith.constant 64 : index
        %get3A_309 = tpu.vector_load %arg8[%get3A_307, %get3A_308] {strides = array<i32>} : memref<128x128xf32, #tpu.memory_space<vmem>>, vector<1x16xf32>,
        %get3A_310 = vector.shape_cast %get3A_309 : vector<1x16xf32> to vector<16xf32>
        %mul3A_311 = arith.constant 11.3137083 : f32
        %mul3A_312 = vector.broadcast %mul3A_311 : f32 to vector<16xf32>
        %mul3A_313 = arith.mulf %get3A_310, %mul3A_312 : vector<16xf32>
        %swap3A_314 = arith.index_cast %scan3A_258 : i32 to index
        %swap3A_315 = arith.constant 64 : index
        %swap3A_316 = tpu.vector_load %arg8[%swap3A_314, %swap3A_315] {strides = array<i32>} : memref<128x128xf32, #tpu.memory_space<vmem>>, vector<1x16xf32>,
        %swap3A_317 = vector.shape_cast %swap3A_316 : vector<1x16xf32> to vector<16xf32>
        %swap3A_318 = vector.shape_cast %mul3A_313 : vector<16xf32> to vector<1x16xf32>
        tpu.vector_store %arg8[%swap3A_314, %swap3A_315], %swap3A_318 {strides = array<i32>} : memref<128x128xf32, #tpu.memory_space<vmem>>, vector<1x16xf32>,
        %get3A_319 = arith.index_cast %scan3A_258 : i32 to index
        %get3A_320 = arith.constant 80 : index
        %get3A_321 = tpu.vector_load %arg8[%get3A_319, %get3A_320] {strides = array<i32>} : memref<128x128xf32, #tpu.memory_space<vmem>>, vector<1x16xf32>,
        %get3A_322 = vector.shape_cast %get3A_321 : vector<1x16xf32> to vector<16xf32>
        %mul3A_323 = arith.constant 11.3137083 : f32
        %mul3A_324 = vector.broadcast %mul3A_323 : f32 to vector<16xf32>
        %mul3A_325 = arith.mulf %get3A_322, %mul3A_324 : vector<16xf32>
        %swap3A_326 = arith.index_cast %scan3A_258 : i32 to index
        %swap3A_327 = arith.constant 80 : index
        %swap3A_328 = tpu.vector_load %arg8[%swap3A_326, %swap3A_327] {strides = array<i32>} : memref<128x128xf32, #tpu.memory_space<vmem>>, vector<1x16xf32>,
        %swap3A_329 = vector.shape_cast %swap3A_328 : vector<1x16xf32> to vector<16xf32>
        %swap3A_330 = vector.shape_cast %mul3A_325 : vector<16xf32> to vector<1x16xf32>
        tpu.vector_store %arg8[%swap3A_326, %swap3A_327], %swap3A_330 {strides = array<i32>} : memref<128x128xf32, #tpu.memory_space<vmem>>, vector<1x16xf32>,
        %get3A_331 = arith.index_cast %scan3A_258 : i32 to index
        %get3A_332 = arith.constant 96 : index
        %get3A_333 = tpu.vector_load %arg8[%get3A_331, %get3A_332] {strides = array<i32>} : memref<128x128xf32, #tpu.memory_space<vmem>>, vector<1x16xf32>,
        %get3A_334 = vector.shape_cast %get3A_333 : vector<1x16xf32> to vector<16xf32>
        %mul3A_335 = arith.constant 11.3137083 : f32
        %mul3A_336 = vector.broadcast %mul3A_335 : f32 to vector<16xf32>
        %mul3A_337 = arith.mulf %get3A_334, %mul3A_336 : vector<16xf32>
        %swap3A_338 = arith.index_cast %scan3A_258 : i32 to index
        %swap3A_339 = arith.constant 96 : index
        %swap3A_340 = tpu.vector_load %arg8[%swap3A_338, %swap3A_339] {strides = array<i32>} : memref<128x128xf32, #tpu.memory_space<vmem>>, vector<1x16xf32>,
        %swap3A_341 = vector.shape_cast %swap3A_340 : vector<1x16xf32> to vector<16xf32>
        %swap3A_342 = vector.shape_cast %mul3A_337 : vector<16xf32> to vector<1x16xf32>
        tpu.vector_store %arg8[%swap3A_338, %swap3A_339], %swap3A_342 {strides = array<i32>} : memref<128x128xf32, #tpu.memory_space<vmem>>, vector<1x16xf32>,
        %get3A_343 = arith.index_cast %scan3A_258 : i32 to index
        %get3A_344 = arith.constant 112 : index
        %get3A_345 = tpu.vector_load %arg8[%get3A_343, %get3A_344] {strides = array<i32>} : memref<128x128xf32, #tpu.memory_space<vmem>>, vector<1x16xf32>,
        %get3A_346 = vector.shape_cast %get3A_345 : vector<1x16xf32> to vector<16xf32>
        %mul3A_347 = arith.constant 11.3137083 : f32
        %mul3A_348 = vector.broadcast %mul3A_347 : f32 to vector<16xf32>
        %mul3A_349 = arith.mulf %get3A_346, %mul3A_348 : vector<16xf32>
        %swap3A_350 = arith.index_cast %scan3A_258 : i32 to index
        %swap3A_351 = arith.constant 112 : index
        %swap3A_352 = tpu.vector_load %arg8[%swap3A_350, %swap3A_351] {strides = array<i32>} : memref<128x128xf32, #tpu.memory_space<vmem>>, vector<1x16xf32>,
        %swap3A_353 = vector.shape_cast %swap3A_352 : vector<1x16xf32> to vector<16xf32>
        %swap3A_354 = vector.shape_cast %mul3A_349 : vector<16xf32> to vector<1x16xf32>
        tpu.vector_store %arg8[%swap3A_350, %swap3A_351], %swap3A_354 {strides = array<i32>} : memref<128x128xf32, #tpu.memory_space<vmem>>, vector<1x16xf32>,
      }
      %scan3A_124 = arith.constant 128 : i32
      %mul3A_125 = arith.constant 128 : i32
      %mul3A_126 = arith.muli %add3A_105, %mul3A_125 : i32
      %add3A_127 = arith.addi %mul3A_2, %mul3A_126 : i32
      %dma_start3A_128 = arith.constant 0 : i32
      %dma_start3A_129 = tpu.memref_slice %arg4[%add3A_127, %dma_start3A_128] : memref<819200x128xf32, #tpu.memory_space<hbm>> -> memref<128x128xf32, #tpu.memory_space<hbm>>
      %dma_start3A_130 = arith.constant 0 : i32
      %dma_start3A_131 = tpu.memref_slice %arg4[%add3A_127, %dma_start3A_130] : memref<819200x128xf32, #tpu.memory_space<hbm>> -> memref<128x128xf32, #tpu.memory_space<hbm>>
      tpu.enqueue_dma source(%arg8 : memref<128x128xf32, #tpu.memory_space<vmem>>) target(%dma_start3A_131 : memref<128x128xf32, #tpu.memory_space<hbm>>) target_semaphore(%arg16 : memref<!tpu.dma_semaphore, #tpu.memory_space<semaphore_mem>>)
      %mul3A_132 = arith.constant 4 : i32
      %mul3A_133 = arith.muli %mul3A_132, %scan3A_44 : i32
      %add3A_134 = arith.constant 3 : i32
      %add3A_135 = arith.addi %mul3A_133, %add3A_134 : i32
      %add3A_136 = arith.constant 2 : i32
      %add3A_137 = arith.addi %add3A_135, %add3A_136 : i32
      %lt3A_138 = arith.constant 200 : i32
      %lt3A_139 = arith.cmpi slt, %add3A_137, %lt3A_138 : i32
      %convert_element_type3A_140 = arith.extui %lt3A_139 : i1 to i32
      %cond3A_141 = arith.constant 0 : i32
      %cond3A_142 = arith.cmpi ne, %convert_element_type3A_140, %cond3A_141 : i32
      scf.if %cond3A_142 {
        %ge3A = arith.constant 2 : i32
        %ge3A_162 = arith.cmpi sge, %add3A_135, %ge3A : i32
        %convert_element_type3A_163 = arith.extui %ge3A_162 : i1 to i32
        %cond3A_164 = arith.constant 0 : i32
        %cond3A_165 = arith.cmpi ne, %convert_element_type3A_163, %cond3A_164 : i32
        scf.if %cond3A_165 {
          %add3A_174 = arith.constant 2 : i32
          %add3A_175 = arith.addi %add3A_135, %add3A_174 : i32
          %sub3A = arith.constant 4 : i32
          %sub3A_176 = arith.subi %add3A_175, %sub3A : i32
          %mul3A_177 = arith.constant 128 : i32
          %mul3A_178 = arith.muli %sub3A_176, %mul3A_177 : i32
          %add3A_179 = arith.addi %mul3A_2, %mul3A_178 : i32
          %dma_wait3A_180 = arith.constant 0 : i32
          %dma_wait3A_181 = tpu.memref_slice %arg4[%add3A_179, %dma_wait3A_180] : memref<819200x128xf32, #tpu.memory_space<hbm>> -> memref<128x128xf32, #tpu.memory_space<hbm>>
          %dma_wait3A_182 = arith.constant 0 : i32
          %dma_wait3A_183 = tpu.memref_slice %arg4[%add3A_179, %dma_wait3A_182] : memref<819200x128xf32, #tpu.memory_space<hbm>> -> memref<128x128xf32, #tpu.memory_space<hbm>>
          tpu.wait_dma2 semaphore(%arg15 : memref<!tpu.dma_semaphore, #tpu.memory_space<semaphore_mem>>) src(%arg7 : memref<128x128xf32, #tpu.memory_space<vmem>>) dst(%dma_wait3A_183 : memref<128x128xf32, #tpu.memory_space<hbm>>)
        } else {
        }
        %add3A_166 = arith.constant 2 : i32
        %add3A_167 = arith.addi %add3A_135, %add3A_166 : i32
        %dma_start3A_168 = arith.constant 0 : i32
        %dma_start3A_169 = tpu.memref_slice %arg5[%add3A_167, %dma_start3A_168] : memref<200x128xi32, #tpu.memory_space<vmem>> -> memref<1x128xi32, #tpu.memory_space<vmem>>
        %dma_start3A_170 = tpu.memref_squeeze %dma_start3A_169 : memref<1x128xi32, #tpu.memory_space<vmem>> -> memref<128xi32, #tpu.memory_space<vmem>>
        %dma_start3A_171 = arith.constant 0 : i32
        %dma_start3A_172 = arith.constant 0 : i32
        %dma_start3A_173 = tpu.memref_slice %arg3[%dma_start3A_171, %dma_start3A_172] : memref<100000x128xf32, #tpu.memory_space<hbm>> -> memref<100000x128xf32, #tpu.memory_space<hbm>>
        tpu.enqueue_indirect_dma source(%dma_start3A_173 : memref<100000x128xf32, #tpu.memory_space<hbm>>) target(%arg7 : memref<128x128xf32, #tpu.memory_space<vmem>>) offsets(%dma_start3A_170 : memref<128xi32, #tpu.memory_space<vmem>>) semaphore(%arg11 : memref<!tpu.dma_semaphore, #tpu.memory_space<semaphore_mem>>)
      } else {
      }
      %dma_wait3A_143 = arith.constant 0 : i32
      %dma_wait3A_144 = tpu.memref_slice %arg5[%add3A_135, %dma_wait3A_143] : memref<200x128xi32, #tpu.memory_space<vmem>> -> memref<1x128xi32, #tpu.memory_space<vmem>>
      %dma_wait3A_145 = tpu.memref_squeeze %dma_wait3A_144 : memref<1x128xi32, #tpu.memory_space<vmem>> -> memref<128xi32, #tpu.memory_space<vmem>>
      %dma_wait3A_146 = arith.constant 0 : i32
      %dma_wait3A_147 = arith.constant 0 : i32
      %dma_wait3A_148 = tpu.memref_slice %arg3[%dma_wait3A_146, %dma_wait3A_147] : memref<100000x128xf32, #tpu.memory_space<hbm>> -> memref<100000x128xf32, #tpu.memory_space<hbm>>
      tpu.wait_indirect_dma semaphore(%arg13 : memref<!tpu.dma_semaphore, #tpu.memory_space<semaphore_mem>>) src(%dma_wait3A_148 : memref<100000x128xf32, #tpu.memory_space<hbm>>) dst(%arg9 : memref<128x128xf32, #tpu.memory_space<vmem>>)
      %scan3A_149 = arith.constant 0 : i32
      %scan3A_150 = arith.constant 0 : i32
      %scan3A_151 = arith.constant 128 : i32
      %scan3A_152 = arith.addi %scan3A_150, %scan3A_151 : i32
      %scan3A_153 = arith.constant 2 : i32
      scf.for %scan3A_162 = %scan3A_150 to %scan3A_152 step %scan3A_153  : i32 {
        %get3A = arith.index_cast %scan3A_162 : i32 to index
        %get3A_163 = arith.constant 0 : index
        %get3A_164 = tpu.vector_load %arg9[%get3A, %get3A_163] {strides = array<i32>} : memref<128x128xf32, #tpu.memory_space<vmem>>, vector<1x16xf32>,
        %get3A_165 = vector.shape_cast %get3A_164 : vector<1x16xf32> to vector<16xf32>
        %mul3A_166 = arith.constant 11.3137083 : f32
        %mul3A_167 = vector.broadcast %mul3A_166 : f32 to vector<16xf32>
        %mul3A_168 = arith.mulf %get3A_165, %mul3A_167 : vector<16xf32>
        %swap3A = arith.index_cast %scan3A_162 : i32 to index
        %swap3A_169 = arith.constant 0 : index
        %swap3A_170 = tpu.vector_load %arg9[%swap3A, %swap3A_169] {strides = array<i32>} : memref<128x128xf32, #tpu.memory_space<vmem>>, vector<1x16xf32>,
        %swap3A_171 = vector.shape_cast %swap3A_170 : vector<1x16xf32> to vector<16xf32>
        %swap3A_172 = vector.shape_cast %mul3A_168 : vector<16xf32> to vector<1x16xf32>
        tpu.vector_store %arg9[%swap3A, %swap3A_169], %swap3A_172 {strides = array<i32>} : memref<128x128xf32, #tpu.memory_space<vmem>>, vector<1x16xf32>,
        %get3A_173 = arith.index_cast %scan3A_162 : i32 to index
        %get3A_174 = arith.constant 16 : index
        %get3A_175 = tpu.vector_load %arg9[%get3A_173, %get3A_174] {strides = array<i32>} : memref<128x128xf32, #tpu.memory_space<vmem>>, vector<1x16xf32>,
        %get3A_176 = vector.shape_cast %get3A_175 : vector<1x16xf32> to vector<16xf32>
        %mul3A_177 = arith.constant 11.3137083 : f32
        %mul3A_178 = vector.broadcast %mul3A_177 : f32 to vector<16xf32>
        %mul3A_179 = arith.mulf %get3A_176, %mul3A_178 : vector<16xf32>
        %swap3A_180 = arith.index_cast %scan3A_162 : i32 to index
        %swap3A_181 = arith.constant 16 : index
        %swap3A_182 = tpu.vector_load %arg9[%swap3A_180, %swap3A_181] {strides = array<i32>} : memref<128x128xf32, #tpu.memory_space<vmem>>, vector<1x16xf32>,
        %swap3A_183 = vector.shape_cast %swap3A_182 : vector<1x16xf32> to vector<16xf32>
        %swap3A_184 = vector.shape_cast %mul3A_179 : vector<16xf32> to vector<1x16xf32>
        tpu.vector_store %arg9[%swap3A_180, %swap3A_181], %swap3A_184 {strides = array<i32>} : memref<128x128xf32, #tpu.memory_space<vmem>>, vector<1x16xf32>,
        %get3A_185 = arith.index_cast %scan3A_162 : i32 to index
        %get3A_186 = arith.constant 32 : index
        %get3A_187 = tpu.vector_load %arg9[%get3A_185, %get3A_186] {strides = array<i32>} : memref<128x128xf32, #tpu.memory_space<vmem>>, vector<1x16xf32>,
        %get3A_188 = vector.shape_cast %get3A_187 : vector<1x16xf32> to vector<16xf32>
        %mul3A_189 = arith.constant 11.3137083 : f32
        %mul3A_190 = vector.broadcast %mul3A_189 : f32 to vector<16xf32>
        %mul3A_191 = arith.mulf %get3A_188, %mul3A_190 : vector<16xf32>
        %swap3A_192 = arith.index_cast %scan3A_162 : i32 to index
        %swap3A_193 = arith.constant 32 : index
        %swap3A_194 = tpu.vector_load %arg9[%swap3A_192, %swap3A_193] {strides = array<i32>} : memref<128x128xf32, #tpu.memory_space<vmem>>, vector<1x16xf32>,
        %swap3A_195 = vector.shape_cast %swap3A_194 : vector<1x16xf32> to vector<16xf32>
        %swap3A_196 = vector.shape_cast %mul3A_191 : vector<16xf32> to vector<1x16xf32>
        tpu.vector_store %arg9[%swap3A_192, %swap3A_193], %swap3A_196 {strides = array<i32>} : memref<128x128xf32, #tpu.memory_space<vmem>>, vector<1x16xf32>,
        %get3A_197 = arith.index_cast %scan3A_162 : i32 to index
        %get3A_198 = arith.constant 48 : index
        %get3A_199 = tpu.vector_load %arg9[%get3A_197, %get3A_198] {strides = array<i32>} : memref<128x128xf32, #tpu.memory_space<vmem>>, vector<1x16xf32>,
        %get3A_200 = vector.shape_cast %get3A_199 : vector<1x16xf32> to vector<16xf32>
        %mul3A_201 = arith.constant 11.3137083 : f32
        %mul3A_202 = vector.broadcast %mul3A_201 : f32 to vector<16xf32>
        %mul3A_203 = arith.mulf %get3A_200, %mul3A_202 : vector<16xf32>
        %swap3A_204 = arith.index_cast %scan3A_162 : i32 to index
        %swap3A_205 = arith.constant 48 : index
        %swap3A_206 = tpu.vector_load %arg9[%swap3A_204, %swap3A_205] {strides = array<i32>} : memref<128x128xf32, #tpu.memory_space<vmem>>, vector<1x16xf32>,
        %swap3A_207 = vector.shape_cast %swap3A_206 : vector<1x16xf32> to vector<16xf32>
        %swap3A_208 = vector.shape_cast %mul3A_203 : vector<16xf32> to vector<1x16xf32>
        tpu.vector_store %arg9[%swap3A_204, %swap3A_205], %swap3A_208 {strides = array<i32>} : memref<128x128xf32, #tpu.memory_space<vmem>>, vector<1x16xf32>,
        %get3A_209 = arith.index_cast %scan3A_162 : i32 to index
        %get3A_210 = arith.constant 64 : index
        %get3A_211 = tpu.vector_load %arg9[%get3A_209, %get3A_210] {strides = array<i32>} : memref<128x128xf32, #tpu.memory_space<vmem>>, vector<1x16xf32>,
        %get3A_212 = vector.shape_cast %get3A_211 : vector<1x16xf32> to vector<16xf32>
        %mul3A_213 = arith.constant 11.3137083 : f32
        %mul3A_214 = vector.broadcast %mul3A_213 : f32 to vector<16xf32>
        %mul3A_215 = arith.mulf %get3A_212, %mul3A_214 : vector<16xf32>
        %swap3A_216 = arith.index_cast %scan3A_162 : i32 to index
        %swap3A_217 = arith.constant 64 : index
        %swap3A_218 = tpu.vector_load %arg9[%swap3A_216, %swap3A_217] {strides = array<i32>} : memref<128x128xf32, #tpu.memory_space<vmem>>, vector<1x16xf32>,
        %swap3A_219 = vector.shape_cast %swap3A_218 : vector<1x16xf32> to vector<16xf32>
        %swap3A_220 = vector.shape_cast %mul3A_215 : vector<16xf32> to vector<1x16xf32>
        tpu.vector_store %arg9[%swap3A_216, %swap3A_217], %swap3A_220 {strides = array<i32>} : memref<128x128xf32, #tpu.memory_space<vmem>>, vector<1x16xf32>,
        %get3A_221 = arith.index_cast %scan3A_162 : i32 to index
        %get3A_222 = arith.constant 80 : index
        %get3A_223 = tpu.vector_load %arg9[%get3A_221, %get3A_222] {strides = array<i32>} : memref<128x128xf32, #tpu.memory_space<vmem>>, vector<1x16xf32>,
        %get3A_224 = vector.shape_cast %get3A_223 : vector<1x16xf32> to vector<16xf32>
        %mul3A_225 = arith.constant 11.3137083 : f32
        %mul3A_226 = vector.broadcast %mul3A_225 : f32 to vector<16xf32>
        %mul3A_227 = arith.mulf %get3A_224, %mul3A_226 : vector<16xf32>
        %swap3A_228 = arith.index_cast %scan3A_162 : i32 to index
        %swap3A_229 = arith.constant 80 : index
        %swap3A_230 = tpu.vector_load %arg9[%swap3A_228, %swap3A_229] {strides = array<i32>} : memref<128x128xf32, #tpu.memory_space<vmem>>, vector<1x16xf32>,
        %swap3A_231 = vector.shape_cast %swap3A_230 : vector<1x16xf32> to vector<16xf32>
        %swap3A_232 = vector.shape_cast %mul3A_227 : vector<16xf32> to vector<1x16xf32>
        tpu.vector_store %arg9[%swap3A_228, %swap3A_229], %swap3A_232 {strides = array<i32>} : memref<128x128xf32, #tpu.memory_space<vmem>>, vector<1x16xf32>,
        %get3A_233 = arith.index_cast %scan3A_162 : i32 to index
        %get3A_234 = arith.constant 96 : index
        %get3A_235 = tpu.vector_load %arg9[%get3A_233, %get3A_234] {strides = array<i32>} : memref<128x128xf32, #tpu.memory_space<vmem>>, vector<1x16xf32>,
        %get3A_236 = vector.shape_cast %get3A_235 : vector<1x16xf32> to vector<16xf32>
        %mul3A_237 = arith.constant 11.3137083 : f32
        %mul3A_238 = vector.broadcast %mul3A_237 : f32 to vector<16xf32>
        %mul3A_239 = arith.mulf %get3A_236, %mul3A_238 : vector<16xf32>
        %swap3A_240 = arith.index_cast %scan3A_162 : i32 to index
        %swap3A_241 = arith.constant 96 : index
        %swap3A_242 = tpu.vector_load %arg9[%swap3A_240, %swap3A_241] {strides = array<i32>} : memref<128x128xf32, #tpu.memory_space<vmem>>, vector<1x16xf32>,
        %swap3A_243 = vector.shape_cast %swap3A_242 : vector<1x16xf32> to vector<16xf32>
        %swap3A_244 = vector.shape_cast %mul3A_239 : vector<16xf32> to vector<1x16xf32>
        tpu.vector_store %arg9[%swap3A_240, %swap3A_241], %swap3A_244 {strides = array<i32>} : memref<128x128xf32, #tpu.memory_space<vmem>>, vector<1x16xf32>,
        %get3A_245 = arith.index_cast %scan3A_162 : i32 to index
        %get3A_246 = arith.constant 112 : index
        %get3A_247 = tpu.vector_load %arg9[%get3A_245, %get3A_246] {strides = array<i32>} : memref<128x128xf32, #tpu.memory_space<vmem>>, vector<1x16xf32>,
        %get3A_248 = vector.shape_cast %get3A_247 : vector<1x16xf32> to vector<16xf32>
        %mul3A_249 = arith.constant 11.3137083 : f32
        %mul3A_250 = vector.broadcast %mul3A_249 : f32 to vector<16xf32>
        %mul3A_251 = arith.mulf %get3A_248, %mul3A_250 : vector<16xf32>
        %swap3A_252 = arith.index_cast %scan3A_162 : i32 to index
        %swap3A_253 = arith.constant 112 : index
        %swap3A_254 = tpu.vector_load %arg9[%swap3A_252, %swap3A_253] {strides = array<i32>} : memref<128x128xf32, #tpu.memory_space<vmem>>, vector<1x16xf32>,
        %swap3A_255 = vector.shape_cast %swap3A_254 : vector<1x16xf32> to vector<16xf32>
        %swap3A_256 = vector.shape_cast %mul3A_251 : vector<16xf32> to vector<1x16xf32>
        tpu.vector_store %arg9[%swap3A_252, %swap3A_253], %swap3A_256 {strides = array<i32>} : memref<128x128xf32, #tpu.memory_space<vmem>>, vector<1x16xf32>,
        %scan3A_257 = arith.constant 1 : i32
        %scan3A_258 = arith.addi %scan3A_162, %scan3A_257 : i32
        %get3A_259 = arith.index_cast %scan3A_258 : i32 to index
        %get3A_260 = arith.constant 0 : index
        %get3A_261 = tpu.vector_load %arg9[%get3A_259, %get3A_260] {strides = array<i32>} : memref<128x128xf32, #tpu.memory_space<vmem>>, vector<1x16xf32>,
        %get3A_262 = vector.shape_cast %get3A_261 : vector<1x16xf32> to vector<16xf32>
        %mul3A_263 = arith.constant 11.3137083 : f32
        %mul3A_264 = vector.broadcast %mul3A_263 : f32 to vector<16xf32>
        %mul3A_265 = arith.mulf %get3A_262, %mul3A_264 : vector<16xf32>
        %swap3A_266 = arith.index_cast %scan3A_258 : i32 to index
        %swap3A_267 = arith.constant 0 : index
        %swap3A_268 = tpu.vector_load %arg9[%swap3A_266, %swap3A_267] {strides = array<i32>} : memref<128x128xf32, #tpu.memory_space<vmem>>, vector<1x16xf32>,
        %swap3A_269 = vector.shape_cast %swap3A_268 : vector<1x16xf32> to vector<16xf32>
        %swap3A_270 = vector.shape_cast %mul3A_265 : vector<16xf32> to vector<1x16xf32>
        tpu.vector_store %arg9[%swap3A_266, %swap3A_267], %swap3A_270 {strides = array<i32>} : memref<128x128xf32, #tpu.memory_space<vmem>>, vector<1x16xf32>,
        %get3A_271 = arith.index_cast %scan3A_258 : i32 to index
        %get3A_272 = arith.constant 16 : index
        %get3A_273 = tpu.vector_load %arg9[%get3A_271, %get3A_272] {strides = array<i32>} : memref<128x128xf32, #tpu.memory_space<vmem>>, vector<1x16xf32>,
        %get3A_274 = vector.shape_cast %get3A_273 : vector<1x16xf32> to vector<16xf32>
        %mul3A_275 = arith.constant 11.3137083 : f32
        %mul3A_276 = vector.broadcast %mul3A_275 : f32 to vector<16xf32>
        %mul3A_277 = arith.mulf %get3A_274, %mul3A_276 : vector<16xf32>
        %swap3A_278 = arith.index_cast %scan3A_258 : i32 to index
        %swap3A_279 = arith.constant 16 : index
        %swap3A_280 = tpu.vector_load %arg9[%swap3A_278, %swap3A_279] {strides = array<i32>} : memref<128x128xf32, #tpu.memory_space<vmem>>, vector<1x16xf32>,
        %swap3A_281 = vector.shape_cast %swap3A_280 : vector<1x16xf32> to vector<16xf32>
        %swap3A_282 = vector.shape_cast %mul3A_277 : vector<16xf32> to vector<1x16xf32>
        tpu.vector_store %arg9[%swap3A_278, %swap3A_279], %swap3A_282 {strides = array<i32>} : memref<128x128xf32, #tpu.memory_space<vmem>>, vector<1x16xf32>,
        %get3A_283 = arith.index_cast %scan3A_258 : i32 to index
        %get3A_284 = arith.constant 32 : index
        %get3A_285 = tpu.vector_load %arg9[%get3A_283, %get3A_284] {strides = array<i32>} : memref<128x128xf32, #tpu.memory_space<vmem>>, vector<1x16xf32>,
        %get3A_286 = vector.shape_cast %get3A_285 : vector<1x16xf32> to vector<16xf32>
        %mul3A_287 = arith.constant 11.3137083 : f32
        %mul3A_288 = vector.broadcast %mul3A_287 : f32 to vector<16xf32>
        %mul3A_289 = arith.mulf %get3A_286, %mul3A_288 : vector<16xf32>
        %swap3A_290 = arith.index_cast %scan3A_258 : i32 to index
        %swap3A_291 = arith.constant 32 : index
        %swap3A_292 = tpu.vector_load %arg9[%swap3A_290, %swap3A_291] {strides = array<i32>} : memref<128x128xf32, #tpu.memory_space<vmem>>, vector<1x16xf32>,
        %swap3A_293 = vector.shape_cast %swap3A_292 : vector<1x16xf32> to vector<16xf32>
        %swap3A_294 = vector.shape_cast %mul3A_289 : vector<16xf32> to vector<1x16xf32>
        tpu.vector_store %arg9[%swap3A_290, %swap3A_291], %swap3A_294 {strides = array<i32>} : memref<128x128xf32, #tpu.memory_space<vmem>>, vector<1x16xf32>,
        %get3A_295 = arith.index_cast %scan3A_258 : i32 to index
        %get3A_296 = arith.constant 48 : index
        %get3A_297 = tpu.vector_load %arg9[%get3A_295, %get3A_296] {strides = array<i32>} : memref<128x128xf32, #tpu.memory_space<vmem>>, vector<1x16xf32>,
        %get3A_298 = vector.shape_cast %get3A_297 : vector<1x16xf32> to vector<16xf32>
        %mul3A_299 = arith.constant 11.3137083 : f32
        %mul3A_300 = vector.broadcast %mul3A_299 : f32 to vector<16xf32>
        %mul3A_301 = arith.mulf %get3A_298, %mul3A_300 : vector<16xf32>
        %swap3A_302 = arith.index_cast %scan3A_258 : i32 to index
        %swap3A_303 = arith.constant 48 : index
        %swap3A_304 = tpu.vector_load %arg9[%swap3A_302, %swap3A_303] {strides = array<i32>} : memref<128x128xf32, #tpu.memory_space<vmem>>, vector<1x16xf32>,
        %swap3A_305 = vector.shape_cast %swap3A_304 : vector<1x16xf32> to vector<16xf32>
        %swap3A_306 = vector.shape_cast %mul3A_301 : vector<16xf32> to vector<1x16xf32>
        tpu.vector_store %arg9[%swap3A_302, %swap3A_303], %swap3A_306 {strides = array<i32>} : memref<128x128xf32, #tpu.memory_space<vmem>>, vector<1x16xf32>,
        %get3A_307 = arith.index_cast %scan3A_258 : i32 to index
        %get3A_308 = arith.constant 64 : index
        %get3A_309 = tpu.vector_load %arg9[%get3A_307, %get3A_308] {strides = array<i32>} : memref<128x128xf32, #tpu.memory_space<vmem>>, vector<1x16xf32>,
        %get3A_310 = vector.shape_cast %get3A_309 : vector<1x16xf32> to vector<16xf32>
        %mul3A_311 = arith.constant 11.3137083 : f32
        %mul3A_312 = vector.broadcast %mul3A_311 : f32 to vector<16xf32>
        %mul3A_313 = arith.mulf %get3A_310, %mul3A_312 : vector<16xf32>
        %swap3A_314 = arith.index_cast %scan3A_258 : i32 to index
        %swap3A_315 = arith.constant 64 : index
        %swap3A_316 = tpu.vector_load %arg9[%swap3A_314, %swap3A_315] {strides = array<i32>} : memref<128x128xf32, #tpu.memory_space<vmem>>, vector<1x16xf32>,
        %swap3A_317 = vector.shape_cast %swap3A_316 : vector<1x16xf32> to vector<16xf32>
        %swap3A_318 = vector.shape_cast %mul3A_313 : vector<16xf32> to vector<1x16xf32>
        tpu.vector_store %arg9[%swap3A_314, %swap3A_315], %swap3A_318 {strides = array<i32>} : memref<128x128xf32, #tpu.memory_space<vmem>>, vector<1x16xf32>,
        %get3A_319 = arith.index_cast %scan3A_258 : i32 to index
        %get3A_320 = arith.constant 80 : index
        %get3A_321 = tpu.vector_load %arg9[%get3A_319, %get3A_320] {strides = array<i32>} : memref<128x128xf32, #tpu.memory_space<vmem>>, vector<1x16xf32>,
        %get3A_322 = vector.shape_cast %get3A_321 : vector<1x16xf32> to vector<16xf32>
        %mul3A_323 = arith.constant 11.3137083 : f32
        %mul3A_324 = vector.broadcast %mul3A_323 : f32 to vector<16xf32>
        %mul3A_325 = arith.mulf %get3A_322, %mul3A_324 : vector<16xf32>
        %swap3A_326 = arith.index_cast %scan3A_258 : i32 to index
        %swap3A_327 = arith.constant 80 : index
        %swap3A_328 = tpu.vector_load %arg9[%swap3A_326, %swap3A_327] {strides = array<i32>} : memref<128x128xf32, #tpu.memory_space<vmem>>, vector<1x16xf32>,
        %swap3A_329 = vector.shape_cast %swap3A_328 : vector<1x16xf32> to vector<16xf32>
        %swap3A_330 = vector.shape_cast %mul3A_325 : vector<16xf32> to vector<1x16xf32>
        tpu.vector_store %arg9[%swap3A_326, %swap3A_327], %swap3A_330 {strides = array<i32>} : memref<128x128xf32, #tpu.memory_space<vmem>>, vector<1x16xf32>,
        %get3A_331 = arith.index_cast %scan3A_258 : i32 to index
        %get3A_332 = arith.constant 96 : index
        %get3A_333 = tpu.vector_load %arg9[%get3A_331, %get3A_332] {strides = array<i32>} : memref<128x128xf32, #tpu.memory_space<vmem>>, vector<1x16xf32>,
        %get3A_334 = vector.shape_cast %get3A_333 : vector<1x16xf32> to vector<16xf32>
        %mul3A_335 = arith.constant 11.3137083 : f32
        %mul3A_336 = vector.broadcast %mul3A_335 : f32 to vector<16xf32>
        %mul3A_337 = arith.mulf %get3A_334, %mul3A_336 : vector<16xf32>
        %swap3A_338 = arith.index_cast %scan3A_258 : i32 to index
        %swap3A_339 = arith.constant 96 : index
        %swap3A_340 = tpu.vector_load %arg9[%swap3A_338, %swap3A_339] {strides = array<i32>} : memref<128x128xf32, #tpu.memory_space<vmem>>, vector<1x16xf32>,
        %swap3A_341 = vector.shape_cast %swap3A_340 : vector<1x16xf32> to vector<16xf32>
        %swap3A_342 = vector.shape_cast %mul3A_337 : vector<16xf32> to vector<1x16xf32>
        tpu.vector_store %arg9[%swap3A_338, %swap3A_339], %swap3A_342 {strides = array<i32>} : memref<128x128xf32, #tpu.memory_space<vmem>>, vector<1x16xf32>,
        %get3A_343 = arith.index_cast %scan3A_258 : i32 to index
        %get3A_344 = arith.constant 112 : index
        %get3A_345 = tpu.vector_load %arg9[%get3A_343, %get3A_344] {strides = array<i32>} : memref<128x128xf32, #tpu.memory_space<vmem>>, vector<1x16xf32>,
        %get3A_346 = vector.shape_cast %get3A_345 : vector<1x16xf32> to vector<16xf32>
        %mul3A_347 = arith.constant 11.3137083 : f32
        %mul3A_348 = vector.broadcast %mul3A_347 : f32 to vector<16xf32>
        %mul3A_349 = arith.mulf %get3A_346, %mul3A_348 : vector<16xf32>
        %swap3A_350 = arith.index_cast %scan3A_258 : i32 to index
        %swap3A_351 = arith.constant 112 : index
        %swap3A_352 = tpu.vector_load %arg9[%swap3A_350, %swap3A_351] {strides = array<i32>} : memref<128x128xf32, #tpu.memory_space<vmem>>, vector<1x16xf32>,
        %swap3A_353 = vector.shape_cast %swap3A_352 : vector<1x16xf32> to vector<16xf32>
        %swap3A_354 = vector.shape_cast %mul3A_349 : vector<16xf32> to vector<1x16xf32>
        tpu.vector_store %arg9[%swap3A_350, %swap3A_351], %swap3A_354 {strides = array<i32>} : memref<128x128xf32, #tpu.memory_space<vmem>>, vector<1x16xf32>,
      }
      %scan3A_154 = arith.constant 128 : i32
      %mul3A_155 = arith.constant 128 : i32
      %mul3A_156 = arith.muli %add3A_135, %mul3A_155 : i32
      %add3A_157 = arith.addi %mul3A_2, %mul3A_156 : i32
      %dma_start3A_158 = arith.constant 0 : i32
      %dma_start3A_159 = tpu.memref_slice %arg4[%add3A_157, %dma_start3A_158] : memref<819200x128xf32, #tpu.memory_space<hbm>> -> memref<128x128xf32, #tpu.memory_space<hbm>>
      %dma_start3A_160 = arith.constant 0 : i32
      %dma_start3A_161 = tpu.memref_slice %arg4[%add3A_157, %dma_start3A_160] : memref<819200x128xf32, #tpu.memory_space<hbm>> -> memref<128x128xf32, #tpu.memory_space<hbm>>
      tpu.enqueue_dma source(%arg9 : memref<128x128xf32, #tpu.memory_space<vmem>>) target(%dma_start3A_161 : memref<128x128xf32, #tpu.memory_space<hbm>>) target_semaphore(%arg17 : memref<!tpu.dma_semaphore, #tpu.memory_space<semaphore_mem>>)
    }
    %scan3A_20 = arith.constant 50 : i32
    %add3A_21 = arith.constant 25088 : i32
    %add3A_22 = arith.addi %mul3A_2, %add3A_21 : i32
    %dma_wait3A = arith.constant 0 : i32
    %dma_wait3A_23 = tpu.memref_slice %arg4[%add3A_22, %dma_wait3A] : memref<819200x128xf32, #tpu.memory_space<hbm>> -> memref<128x128xf32, #tpu.memory_space<hbm>>
    %dma_wait3A_24 = arith.constant 0 : i32
    %dma_wait3A_25 = tpu.memref_slice %arg4[%add3A_22, %dma_wait3A_24] : memref<819200x128xf32, #tpu.memory_space<hbm>> -> memref<128x128xf32, #tpu.memory_space<hbm>>
    tpu.wait_dma2 semaphore(%arg14 : memref<!tpu.dma_semaphore, #tpu.memory_space<semaphore_mem>>) src(%arg6 : memref<128x128xf32, #tpu.memory_space<vmem>>) dst(%dma_wait3A_25 : memref<128x128xf32, #tpu.memory_space<hbm>>)
    %add3A_26 = arith.constant 25216 : i32
    %add3A_27 = arith.addi %mul3A_2, %add3A_26 : i32
    %dma_wait3A_28 = arith.constant 0 : i32
    %dma_wait3A_29 = tpu.memref_slice %arg4[%add3A_27, %dma_wait3A_28] : memref<819200x128xf32, #tpu.memory_space<hbm>> -> memref<128x128xf32, #tpu.memory_space<hbm>>
    %dma_wait3A_30 = arith.constant 0 : i32
    %dma_wait3A_31 = tpu.memref_slice %arg4[%add3A_27, %dma_wait3A_30] : memref<819200x128xf32, #tpu.memory_space<hbm>> -> memref<128x128xf32, #tpu.memory_space<hbm>>
    tpu.wait_dma2 semaphore(%arg15 : memref<!tpu.dma_semaphore, #tpu.memory_space<semaphore_mem>>) src(%arg7 : memref<128x128xf32, #tpu.memory_space<vmem>>) dst(%dma_wait3A_31 : memref<128x128xf32, #tpu.memory_space<hbm>>)
    %add3A_32 = arith.constant 25344 : i32
    %add3A_33 = arith.addi %mul3A_2, %add3A_32 : i32
    %dma_wait3A_34 = arith.constant 0 : i32
    %dma_wait3A_35 = tpu.memref_slice %arg4[%add3A_33, %dma_wait3A_34] : memref<819200x128xf32, #tpu.memory_space<hbm>> -> memref<128x128xf32, #tpu.memory_space<hbm>>
    %dma_wait3A_36 = arith.constant 0 : i32
    %dma_wait3A_37 = tpu.memref_slice %arg4[%add3A_33, %dma_wait3A_36] : memref<819200x128xf32, #tpu.memory_space<hbm>> -> memref<128x128xf32, #tpu.memory_space<hbm>>
    tpu.wait_dma2 semaphore(%arg16 : memref<!tpu.dma_semaphore, #tpu.memory_space<semaphore_mem>>) src(%arg8 : memref<128x128xf32, #tpu.memory_space<vmem>>) dst(%dma_wait3A_37 : memref<128x128xf32, #tpu.memory_space<hbm>>)
    %add3A_38 = arith.constant 25472 : i32
    %add3A_39 = arith.addi %mul3A_2, %add3A_38 : i32
    %dma_wait3A_40 = arith.constant 0 : i32
    %dma_wait3A_41 = tpu.memref_slice %arg4[%add3A_39, %dma_wait3A_40] : memref<819200x128xf32, #tpu.memory_space<hbm>> -> memref<128x128xf32, #tpu.memory_space<hbm>>
    %dma_wait3A_42 = arith.constant 0 : i32
    %dma_wait3A_43 = tpu.memref_slice %arg4[%add3A_39, %dma_wait3A_42] : memref<819200x128xf32, #tpu.memory_space<hbm>> -> memref<128x128xf32, #tpu.memory_space<hbm>>
    tpu.wait_dma2 semaphore(%arg17 : memref<!tpu.dma_semaphore, #tpu.memory_space<semaphore_mem>>) src(%arg9 : memref<128x128xf32, #tpu.memory_space<vmem>>) dst(%dma_wait3A_43 : memref<128x128xf32, #tpu.memory_space<hbm>>)
    return
  }
}

</mosaic_0001>

<sc_bundles>
// kernel: kernel.3.cloned.1.call-start
scs
__scs_entry_jumppad:
0x0: {  	(pc) =	sbr.rel $0x88, $3  }
0x1: {  	(tag) =	ssettag $0x0;
	lr =	simm.s32 $0x1  }
0x2: {  	[smem:$0x3F9F] =	sst lr;
	_ =	strace $0xD0000000  }
0x3: {  	_ = 	snop  }
0x4: {  	_ = 	snop  }
0x5: {  	_ = 	snop  }
0x6: {  	_ = 	snop  }
0x7: {  	_ = 	snop  }
__scs_overlays_trampoline_lowered:
0x8: {  	[smem:$0x3FAE] =	sst s0  }
0x9: {  	[smem:$0x3FAF] =	sst s1  }
0xa: {  	[smem:$0x3FB0] =	sst s2  }
0xb: {  	[smem:$0x3FB1] =	sst s3  }
0xc: {  	[smem:$0x3FB2] =	sst s4  }
0xd: {  	[smem:$0x3FB3] =	sst s5  }
0xe: {  	[smem:$0x3FB4] =	sst s6  }
0xf: {  	[smem:$0x3FB5] =	sst s7  }
0x10: {  	[smem:$0x3FB6] =	sst s8  }
0x11: {  	[smem:$0x3FB7] =	sst s9;
	s0 =	simm.s32 @!p0 $0x0  }
0x12: {  	s1 =	sld [smem:$0x3F9D];
	s0 =	simm.s32 @p0 $0x1  }
0x13: {  	[smem:$0x3FB8] =	sst s0;
	s0 =	simm.s32 @!p1 $0x0  }
0x14: {  	s2 =	sld [smem:$0x3F9C];
	s0 =	simm.s32 @p1 $0x1  }
0x15: {  	[smem:$0x3FB9] =	sst s0;
	s0 =	simm.s32 @!p2 $0x0  }
0x16: {  	s3 =	sld [smem:$0x3FDB];
	s0 =	simm.s32 @p2 $0x1  }
0x17: {  	s4 =	simm.s32 $0x1BF5;
	[smem:$0x3FBB] =	sst s0  }
0x18: {  	s0 =	sld [smem:$0x3F9E];
	_ =	swait.ge [sflag:s4], $0x0  }
0x19: {  	s7 =	sld [smem:$0x3F9F]  }
0x1a: {  	s8 =	sadd.s32 $0xFFFFE003, lr  }
0x1b: {  	s9 =	sadd.s32 $0xFFFFFEF7, lr;
	s5 =	simm.s32 $0xFFFFFFFF;
	p2 =	slt.u32 s8, $0xFFFFF086  }
0x1c: {  	p1 =	slt.u32 s9, $0xF7A;
	s5 =	simm.s32 @!p2 $0x0  }
0x1d: {  	s5 =	simm.s32 @p1 $0x1;
	p0 =	seq.s32 s7, s2  }
0x1e: {  	s7 =	smul.u32 @!p0 $0xF7A, s2;
	p2 =	seq.s32 @!p0 s5, $0x0  }
0x1f: {  	s9 =	smul.u32 $0xF7A, s1;
	s8 =	simm.s32 @!p0 $0x1BF5;
	p2 =	por !p2, p0  }
0x20: {  	[sflag:s8] =	ssyncset.s32 @!p0 $0xFFFFF086;
	s6 =	sadd.s32 @!p0 s3, s7;
	s7 =	simm.s32 @!p0 $0x108  }
0x21: {  	s3 =	sadd.s32 s3, s9;
	s6 =	sadd.s32 @!p0 $0x88, s6;
	s7 =	simm.s32 @p2 $0x1082  }
0x22: {  	[simem:s7], [sflag:s8] =	dma.local @!p0 [hbm:s6], $0xF7A  }
0x23: {  	s9 =	sor.u32 $0xD0000000, s2;
	s6 =	simm.s32 $0x108;
	_ =	swait.ge @!p0 [sflag:s8], $0x0  }
0x24: {  	s3 =	sadd.s32 $0x88, s3;
	s6 =	simm.s32 @!p1 $0x1082;
	[sflag:s4] =	ssyncset.s32 $0xFFFFF086  }
0x25: {  	[simem:s6], [sflag:s4] =	dma.local [hbm:s3], $0xF7A  }
0x26: {  	[smem:$0x3F9F] =	sst s1;
	(tag) =	ssettag s2;
	_ =	strace s9  }
0x27: {  	s1 =	sld [smem:$0x3FAF]  }
0x28: {  	s2 =	sld [smem:$0x3FB0]  }
0x29: {  	s4 =	sld [smem:$0x3FB2]  }
0x2a: {  	p0 =	seq.s32 s5, $0x0;
	s5 =	sld [smem:$0x3FB3]  }
0x2b: {  	s6 =	sld [smem:$0x3FB4]  }
0x2c: {  	s7 =	sld [smem:$0x3FB5]  }
0x2d: {  	s3 =	simm.s32 $0x108;
	s8 =	sld [smem:$0x3FB6]  }
0x2e: {  	s3 =	simm.s32 @!p0 $0x1082;
	s9 =	sld [smem:$0x3FB7]  }
0x2f: {  	lr =	sadd.s32 s0, s3;
	s0 =	sld [smem:$0x3FAE]  }
0x30: {  	s3 =	sld [smem:$0x3FB1]  }
0x31: {  	[smem:$0x3FBA] =	sst s10  }
0x32: {  	s10 =	sld [smem:$0x3FB8];
	_ =	sdelay $0x3  }
0x33: {  	p0 =	seq.s32 s10, $0x1;
	s10 =	sld [smem:$0x3FBA];
	_ =	sdelay $0x3  }
0x34: {  	[smem:$0x3FBA] =	sst s10  }
0x35: {  	s10 =	sld [smem:$0x3FB9];
	_ =	sdelay $0x3  }
0x36: {  	p1 =	seq.s32 s10, $0x1;
	s10 =	sld [smem:$0x3FBA];
	_ =	sdelay $0x3  }
0x37: {  	[smem:$0x3FBA] =	sst s10  }
0x38: {  	s10 =	sld [smem:$0x3FBB]  }
0x39: {  	_ = 	snop;
	(pc) =	sbr.ind lr, $3  }
0x3a: {  	_ = 	snop  }
0x3b: {  	_ = 	snop  }
0x3c: {  	p2 =	seq.s32 s10, $0x1;
	s10 =	sld [smem:$0x3FBA]  }
0x3d: {  	_ =	shalt  }
0x3e: {  	_ =	shalt  }
0x3f: {  	_ =	shalt  }
0x40: {  	_ =	shalt  }
0x41: {  	_ =	shalt  }
0x42: {  	_ =	shalt  }
0x43: {  	_ =	shalt  }
0x44: {  	_ =	shalt  }
0x45: {  	_ =	shalt  }
0x46: {  	_ =	shalt  }
0x47: {  	_ =	shalt  }
0x48: {  	_ =	shalt  }
0x49: {  	_ =	shalt  }
0x4a: {  	_ =	shalt  }
0x4b: {  	_ =	shalt  }
0x4c: {  	_ =	shalt  }
0x4d: {  	_ =	shalt  }
0x4e: {  	_ =	shalt  }
0x4f: {  	_ =	shalt  }
0x50: {  	_ =	shalt  }
0x51: {  	_ =	shalt  }
0x52: {  	_ =	shalt  }
0x53: {  	_ =	shalt  }
0x54: {  	_ =	shalt  }
0x55: {  	_ =	shalt  }
0x56: {  	_ =	shalt  }
0x57: {  	_ =	shalt  }
0x58: {  	_ =	shalt  }
0x59: {  	_ =	shalt  }
0x5a: {  	_ =	shalt  }
0x5b: {  	_ =	shalt  }
0x5c: {  	_ =	shalt  }
0x5d: {  	_ =	shalt  }
0x5e: {  	_ =	shalt  }
0x5f: {  	_ =	shalt  }
0x60: {  	_ =	shalt  }
0x61: {  	_ =	shalt  }
0x62: {  	_ =	shalt  }
0x63: {  	_ =	shalt  }
0x64: {  	_ =	shalt  }
0x65: {  	_ =	shalt  }
0x66: {  	_ =	shalt  }
0x67: {  	_ =	shalt  }
0x68: {  	_ =	shalt  }
0x69: {  	_ =	shalt  }
0x6a: {  	_ =	shalt  }
0x6b: {  	_ =	shalt  }
0x6c: {  	_ =	shalt  }
0x6d: {  	_ =	shalt  }
0x6e: {  	_ =	shalt  }
0x6f: {  	_ =	shalt  }
0x70: {  	_ =	shalt  }
0x71: {  	_ =	shalt  }
0x72: {  	_ =	shalt  }
0x73: {  	_ =	shalt  }
0x74: {  	_ =	shalt  }
0x75: {  	_ =	shalt  }
0x76: {  	_ =	shalt  }
0x77: {  	_ =	shalt  }
0x78: {  	_ =	shalt  }
0x79: {  	_ =	shalt  }
0x7a: {  	_ =	shalt  }
0x7b: {  	_ =	shalt  }
0x7c: {  	_ =	shalt  }
0x7d: {  	_ =	shalt  }
0x7e: {  	_ =	shalt  }
0x7f: {  	_ =	shalt  }
0x80: {  	_ =	shalt  }
0x81: {  	_ =	shalt  }
0x82: {  	_ =	shalt  }
0x83: {  	_ =	shalt  }
0x84: {  	_ =	shalt  }
0x85: {  	_ =	shalt  }
0x86: {  	_ =	shalt  }
0x87: {  	_ =	shalt  }
.Lfunc_end0:
.L_simem_size_0:
called_computation_lowered:
.L_overlay_start_0:
0x88: {  	s2 =	sld [smem:$0x3FD9]  }
0x89: {  	s3 =	sld [smem:$0x3FFE];
	_ =	sdelay $0x1  }
0x8a: {  	s1 =	srdreg.scid  }
0x8b: {  	s0 =	sand.u32 $0x1, s1  }
0x8c: {  	s17 =	sshll.u32 s0, $0xA;
	s2 =	sadd.s32 s3, s2  }
0x8d: {  	s2 =	sadd.s32 s2, s17  }
0x8e: {  	[smem:$0x3FC6] =	sst s2  }
0x8f: {  	_ = 	snop  }
0x90: {  	s2 =	sld [smem:$0x3FC8]  }
0x91: {  	s18 =	sld [smem:$0x3FD0];
	(tm) =	ssettm $0x1  }
0x92: {  	s4 =	sld [smem:$0x3FFB];
	_ =	sdelay $0x3  }
0x93: {  	_ =	strace s4  }
0x94: {  	s4 =	sld [smem:$0x3FFC];
	_ =	sdelay $0x3  }
0x95: {  	_ =	strace s4  }
0x96: {  	s4 =	sld [smem:$0x3FFD];
	_ =	sdelay $0x3  }
0x97: {  	_ =	strace s4  }
0x98: {  	_ =	strace $0x8FFFFFFF  }
0x99: {  	s19 =	sld [smem:$0x3FDB];
	_ =	sdelay $0x1  }
0x9a: {  	s5 =	simm.s32 $_scs_section_size  }
0x9b: {  	s6 =	simm.s32 $_size__tile_overlayer_lowered;
	s7 =	simm.s32 $_tile_overlayer_lowered  }
0x9c: {  	s22 =	simm.s32 $0x1BFF;
	s21 =	sshll.u32 s7, $0x1;
	s4 =	sadd.s32 s5, s19  }
0x9d: {  	s8 =	simm.s32 $0x0;
	s20 =	sshll.u32 s6, $0x1;
	s6 =	sadd.s32 s21, s4  }
0x9e: {  	[timem:s8], [sflag:s22] =	dma.local [hbm:s6], s20  }
0x9f: {  	_ =	swait.ge [sflag:s22], s20  }
0xa0: {  	s5 =	ssub.s32 $0x0, s20;
	[sflag:s22] =	ssyncset.done $0x0  }
0xa1: {  	[sflag:s22] =	ssyncadd.s32 s5;
	_ =	sdelay $0x1  }
0xa2: {  	s23 =	simm.s32 $0x1B8B  }
0xa3: {  	_ =	swait.ge [sflag:s23], $0x1  }
0xa4: {  	[sflag:s23] =	ssyncset.done $0x0  }
0xa5: {  	s25 =	simm.s32 $0x1B8E;
	s24 =	sld [smem:$0x3FFE];
	[sflag:s23] =	ssyncadd.s32 $0xFFFFFFFF  }
0xa6: {  	s26 =	simm.s32 $execute0_lowered;
	[smem:$0x3FD2] =	sst s25  }
0xa7: {  	s6 =	sshll.u32 s26, $0x1;
	_ =	strace $0x80000046;
	[dreg:$0x1] =	wrdreg $0xFFFFFFFF  }
0xa8: {  	s28 =	simm.s32 $_size_execute0_lowered;
	s4 =	sadd.s32 s4, s6;
	[dreg:$0x0] =	wrdreg $0x0  }
0xa9: {  	s6 =	sshll.u32 s28, $0x1;
	[dreg:$0x2] =	wrdreg s4  }
0xaa: {  	[dreg:$0x3] =	wrdreg s6  }
0xab: {  	[dreg:$0x4] =	wrdreg $0xC0  }
0xac: {  	_ =	task [dreg:s8], $0x5FFFF  }
0xad: {  	[dreg:$0x1] =	wrdreg $0xFFFFFFFF  }
0xae: {  	[dreg:$0x0] =	wrdreg $0x60  }
0xaf: {  	[dreg:$0x2] =	wrdreg s24  }
0xb0: {  	[dreg:$0x3] =	wrdreg s2  }
0xb1: {  	[dreg:$0x4] =	wrdreg s18  }
0xb2: {  	[dreg:$0x5] =	wrdreg $0x9  }
0xb3: {  	_ =	task.clear_ibuf [dreg:s8], $0x6FFFF;
	_ =	strace $0x90000046  }
0xb4: {  	s29 =	simm.s32 $0x9;
	_ =	strace $0x80000048  }
0xb5: {  	_ =	swait.ge [sflag:s29], $0x1  }
0xb6: {  	[sflag:s29] =	ssyncadd.s32 $0xFFFFFFFF  }
0xb7: {  	_ =	strace $0x90000048  }
0xb8: {  	_ =	sfence  }
0xb9: {  	s30 =	sld [smem:$0x0];
	_ =	sdelay $0x2  }
0xba: {  	s31 =	sshll.u32 s1, $0xD;
	s1 =	sshrl.u32 s1, $0x2  }
0xbb: {  	s3 =	sand.u32 $0x4000, s31;
	s1 =	sadd.s32 s1, s30  }
0xbc: {  	s0 =	sor.u32 s3, s0;
	s1 =	sshll.u32 s1, $0x11  }
0xbd: {  	s0 =	sor.u32 s1, s0  }
0xbe: {  	s0 =	sadd.s32 $0x8F2B, s0  }
0xbf: {  	[sflag:s0] =	ssyncadd.remote.s32 $0x1  }
0xc0: {  	_ =	sfence.sel $0xFFFF  }
0xc1: {  	[dreg:$0x0] =	wrdreg $0xFFFFFFFF;
	(pc) =	sbr.abs _section_cstart, $3  }
0xc2: {  	[dreg:$0x1] =	wrdreg $0xFFFFFFFF  }
0xc3: {  	_ =	task.clear_ibuf [dreg:s8], $0x2FFFF;
	_ =	strace $0x9FFFFFFF  }
0xc4: {  	(tm) =	ssettm $0x7FFFFFFF  }
0xc5: {  	_ =	shalt  }
tec
execute0_lowered:
.L_overlay_start_1:
0x0: {  	(tag) =	ssettag $0x1  }
0x1: {  	s5 =	rddreg [dreg:$0x0]  }
0x2: {  	s1 =	srdreg.scid;
	s2 =	rddreg [dreg:$0x1]  }
0x3: {  	s0 =	stileid.u32;
	s3 =	rddreg [dreg:$0x2]  }
0x4: {  	s4 =	simm.s32 $0x0;
	s10 =	simm.s32 $0x80;
	s11 =	simm.s32 $0x6400  }
0x5: {  	s12 =	simm.s32 $0xA400;
	s13 =	simm.s32 $0xE400;
	s14 =	simm.s32 $0x1  }
0x6: {  	s15 =	simm.s32 $0x12400;
	s16 =	simm.s32 $0x2;
	s17 =	simm.s32 $0x3  }
0x7: {  	s18 =	simm.s32 $0x4;
	s19 =	simm.s32 $0x5;
	s20 =	simm.s32 $0x6  }
0x8: {  	s21 =	simm.s32 $0x7;
	s6 =	sand.u32 $0x1, s1;
	s30 =	sshll.u32 s0, $0x1  }
0x9: {  	s22 =	simm.s32 $0x8;
	s23 =	simm.s32 $0x0;
	s7 =	sor.u32 s6, s30  }
0xa: {  	s1 =	rddreg [dreg:$0x3];
	s6 =	ssub.s32 $0x2, s6;
	s8 =	smul.u32 $0xC80, s7  }
0xb: {  	[smem:$0x7FF] =	sst s4;
	s9 =	smul.u32 $0x64000, s7;
	s31 =	sshrl.u32 s6, $0x1  }
0xc: {  	_ =	strace $0x80000047;
	s5 =	sadd.s32 s8, s5;
	s8 =	ssub.s32 s6, s31  }
0xd: {  	s9 =	sadd.s32 s9, s3;
	s6 =	smul.u32 $0x320000, s7;
	s5 =	sadd.s32 $0x400, s5  }
0xe: {  	s7 =	smax.u32 s8, $0x1;
	s8 =	sadd.s32 $0x800, s9;
	s9 =	simm.s32 $0x9  }
.LBB2_1:
0xf: {  	[tilespmem:s4], [sflag:$0x9] =	stream.linear.gather [hbm4b:s5+s4], $0x6400, $0x38;
	[tilespmem:$0x16400] =	vst v63  }
0x10: {  	_ =	swait.ge [sflag:s9], $0x6400  }
0x11: {  	[sflag:s9] =	ssyncset.done $0x0  }
0x12: {  	[sflag:s9] =	ssyncadd.s32 $0xFFFF9C00  }
0x13: {  	[tilespmem:s11], [sflag:$0x1] =	stream.indirect.gather [hbm4b:s2+s10], $0x80, s4, s10, $0xb8;
	[tilespmem:$0x16400] =	vst v63  }
0x14: {  	s24 =	simm.s32 $0x0  }
0x15: {  	[tilespmem:s12], [sflag:$0x2] =	stream.indirect.gather [hbm4b:s2+s10], $0x80, s10, s10, $0xb8;
	[tilespmem:$0x16400] =	vst v63  }
.LBB2_2:
0x16: {  	p0 =	seq.s32 s24, $0x0  }
0x17: {  	s26 =	sshll.u32 s24, $0x2;
	s28 =	simm.s32 @!p0 $0x7  }
0x18: {  	s25 =	sor.u32 $0x2, s26;
	_ =	swait.ge @!p0 [sflag:s28], $0x4000  }
0x19: {  	s29 =	sshll.u32 s25, $0x7;
	[sflag:s28] =	ssyncset.done @!p0 $0x0  }
0x1a: {  	[sflag:s28] =	ssyncadd.s32 @!p0 $0xFFFFC000;
	s28 =	sand.u32 $0x3FFFFF80, s29  }
0x1b: {  	[tilespmem:s13], [sflag:$0x3] =	stream.indirect.gather [hbm4b:s2+s10], $0x80, s28, s10, $0xb8;
	[tilespmem:$0x16400] =	vst v63  }
0x1c: {  	_ =	swait.ge [sflag:s14], $0x4000  }
0x1d: {  	[sflag:s14] =	ssyncset.done $0x0  }
0x1e: {  	s28 =	simm.s32 $0x6480;
	[sflag:s14] =	ssyncadd.s32 $0xFFFFC000  }
0x1f: {  	v0 =	vld [tilespmem:s28+$0xFFFFFF80]  }
0x20: {  	v1 =	vld [tilespmem:s28+$0xFFFFFF90]  }
0x21: {  	v2 =	vld [tilespmem:s28+$0xFFFFFFA0]  }
0x22: {  	v3 =	vld [tilespmem:s28+$0xFFFFFFB0]  }
0x23: {  	v4 =	vld [tilespmem:s28+$0xFFFFFFC0]  }
0x24: {  	v5 =	vld [tilespmem:s28+$0xFFFFFFD0];
	v0 =	vmul.f32 $1.131370830e+01, v0  }
0x25: {  	v6 =	vld [tilespmem:s28+$0xFFFFFFE0];
	v1 =	vmul.f32 $1.131370830e+01, v1  }
0x26: {  	[tilespmem:s28+$0xFFFFFF80] =	vst v0;
	v0 =	vmul.f32 $1.131370830e+01, v2;
	v2 =	vld [tilespmem:s28+$0x0]  }
0x27: {  	[tilespmem:s28+$0xFFFFFF90] =	vst v1;
	v1 =	vmul.f32 $1.131370830e+01, v3;
	v3 =	vld [tilespmem:s28+$0x10]  }
0x28: {  	[tilespmem:s28+$0xFFFFFFA0] =	vst v0;
	v0 =	vmul.f32 $1.131370830e+01, v4;
	v4 =	vld [tilespmem:s28+$0x20]  }
0x29: {  	v7 =	vld [tilespmem:s28+$0x30];
	[tilespmem:s28+$0xFFFFFFB0] =	vst v1;
	v1 =	vmul.f32 $1.131370830e+01, v5  }
0x2a: {  	v5 =	vmul.f32 $1.131370830e+01, v6;
	[tilespmem:s28+$0xFFFFFFC0] =	vst v0;
	v0 =	vld [tilespmem:s28+$0x40]  }
0x2b: {  	[tilespmem:s28+$0xFFFFFFD0] =	vst v1;
	v1 =	vmul.f32 $1.131370830e+01, v2;
	v2 =	vld [tilespmem:s28+$0x50]  }
0x2c: {  	[tilespmem:s28+$0xFFFFFFE0] =	vst v5;
	v6 =	vmul.f32 $1.131370830e+01, v3;
	v3 =	vld [tilespmem:s28+$0x60]  }
0x2d: {  	[tilespmem:s28+$0x0] =	vst v1;
	v5 =	vmul.f32 $1.131370830e+01, v4;
	v4 =	vld [tilespmem:s28+$0x70]  }
0x2e: {  	s30 =	simm.s32 $0x6580;
	s29 =	simm.s32 $0x0;
	v1 =	vld [tilespmem:s28+$0xFFFFFFF0];
	[tilespmem:s28+$0x10] =	vst v6;
	v6 =	vmul.f32 $1.131370830e+01, v7  }
.LBB2_3:
0x2f: {  	v7 =	vld [tilespmem:s30+$0xFFFFFF80];
	[tilespmem:s28+$0x20] =	vst v5;
	v0 =	vmul.f32 $1.131370830e+01, v0  }
0x30: {  	v5 =	vld [tilespmem:s30+$0xFFFFFF90];
	[tilespmem:s28+$0x30] =	vst v6;
	v2 =	vmul.f32 $1.131370830e+01, v2  }
0x31: {  	v6 =	vld [tilespmem:s30+$0xFFFFFFA0];
	[tilespmem:s28+$0x40] =	vst v0;
	v0 =	vmul.f32 $1.131370830e+01, v3  }
0x32: {  	v3 =	vld [tilespmem:s30+$0xFFFFFFB0];
	[tilespmem:s28+$0x50] =	vst v2;
	v2 =	vmul.f32 $1.131370830e+01, v4  }
0x33: {  	v4 =	vld [tilespmem:s30+$0xFFFFFFC0];
	v1 =	vmul.f32 $1.131370830e+01, v1;
	[tilespmem:s28+$0x60] =	vst v0  }
0x34: {  	v0 =	vmul.f32 $1.131370830e+01, v7;
	v7 =	vld [tilespmem:s30+$0xFFFFFFD0];
	[tilespmem:s28+$0x70] =	vst v2  }
0x35: {  	v2 =	vmul.f32 $1.131370830e+01, v5;
	v5 =	vld [tilespmem:s30+$0xFFFFFFE0];
	[tilespmem:s28+$0xFFFFFFF0] =	vst v1;
	s28 =	smov.u32 s30  }
0x36: {  	[tilespmem:s30+$0xFFFFFF80] =	vst v0;
	v0 =	vmul.f32 $1.131370830e+01, v6;
	v1 =	vld [tilespmem:s30+$0x0]  }
0x37: {  	[tilespmem:s30+$0xFFFFFF90] =	vst v2;
	v2 =	vmul.f32 $1.131370830e+01, v3;
	v3 =	vld [tilespmem:s30+$0x10]  }
0x38: {  	s29 =	sadd.s32 $0x2, s29;
	[tilespmem:s30+$0xFFFFFFA0] =	vst v0;
	v0 =	vmul.f32 $1.131370830e+01, v4;
	v4 =	vld [tilespmem:s30+$0x20]  }
0x39: {  	p1 =	slt.u32 s29, $0x7E;
	[tilespmem:s30+$0xFFFFFFB0] =	vst v2;
	v2 =	vmul.f32 $1.131370830e+01, v7;
	v6 =	vld [tilespmem:s30+$0x30]  }
.Ltmp0:
0x3a: {  	[tilespmem:s30+$0xFFFFFFC0] =	vst v0;
	v5 =	vmul.f32 $1.131370830e+01, v5;
	v0 =	vld [tilespmem:s30+$0x40];
	(pc) =	sbr.rel @p1 .LBB2_3-.Ltmp0, $4  }
0x3b: {  	[tilespmem:s30+$0xFFFFFFD0] =	vst v2;
	v1 =	vmul.f32 $1.131370830e+01, v1;
	v2 =	vld [tilespmem:s30+$0x50]  }
0x3c: {  	[tilespmem:s30+$0xFFFFFFE0] =	vst v5;
	v7 =	vmul.f32 $1.131370830e+01, v3;
	v3 =	vld [tilespmem:s30+$0x60]  }
0x3d: {  	[tilespmem:s30+$0x0] =	vst v1;
	v5 =	vmul.f32 $1.131370830e+01, v4;
	v4 =	vld [tilespmem:s30+$0x70]  }
0x3e: {  	s30 =	sadd.s32 $0x100, s30;
	v1 =	vld [tilespmem:s28+$0xFFFFFFF0];
	[tilespmem:s28+$0x10] =	vst v7;
	v6 =	vmul.f32 $1.131370830e+01, v6  }
0x3f: {  	[tilespmem:s28+$0x20] =	vst v5;
	v0 =	vmul.f32 $1.131370830e+01, v0  }
0x40: {  	[tilespmem:s28+$0x30] =	vst v6;
	v2 =	vmul.f32 $1.131370830e+01, v2  }
0x41: {  	[tilespmem:s28+$0x40] =	vst v0;
	v0 =	vmul.f32 $1.131370830e+01, v3  }
0x42: {  	s29 =	sshll.u32 s24, $0x10;
	[tilespmem:s28+$0x50] =	vst v2;
	v2 =	vmul.f32 $1.131370830e+01, v4  }
0x43: {  	s29 =	sadd.s32 s6, s29;
	v1 =	vmul.f32 $1.131370830e+01, v1;
	[tilespmem:s28+$0x60] =	vst v0  }
0x44: {  	s29 =	sshrl.u32 s29, $0x3;
	[tilespmem:s28+$0x70] =	vst v2  }
0x45: {  	[tilespmem:s28+$0xFFFFFFF0] =	vst v1;
	s28 =	sadd.s32 s3, s29  }
0x46: {  	[hbm4b:s28+s4] =	stream.linear.scatter [tilespmem:s11], [sflag:$0x5], $0x4000, $0x38;
	[tilespmem:$0x16400] =	vst v63  }
0x47: {  	s28 =	simm.s32 @!p0 $0x8  }
0x48: {  	s26 =	sor.u32 $0x3, s26;
	_ =	swait.ge @!p0 [sflag:s28], $0x4000  }
0x49: {  	s29 =	sshll.u32 s26, $0x7;
	[sflag:s28] =	ssyncset.done @!p0 $0x0  }
0x4a: {  	[sflag:s28] =	ssyncadd.s32 @!p0 $0xFFFFC000;
	s28 =	sand.u32 $0x3FFFFF80, s29  }
0x4b: {  	[tilespmem:s15], [sflag:$0x4] =	stream.indirect.gather [hbm4b:s2+s10], $0x80, s28, s10, $0xb8;
	[tilespmem:$0x16400] =	vst v63  }
0x4c: {  	_ =	swait.ge [sflag:s16], $0x4000  }
0x4d: {  	[sflag:s16] =	ssyncset.done $0x0  }
0x4e: {  	s28 =	simm.s32 $0xA480;
	[sflag:s16] =	ssyncadd.s32 $0xFFFFC000  }
0x4f: {  	v0 =	vld [tilespmem:s28+$0xFFFFFF80]  }
0x50: {  	v1 =	vld [tilespmem:s28+$0xFFFFFF90]  }
0x51: {  	v2 =	vld [tilespmem:s28+$0xFFFFFFA0]  }
0x52: {  	v3 =	vld [tilespmem:s28+$0xFFFFFFB0]  }
0x53: {  	v4 =	vld [tilespmem:s28+$0xFFFFFFC0]  }
0x54: {  	v5 =	vld [tilespmem:s28+$0xFFFFFFD0];
	v0 =	vmul.f32 $1.131370830e+01, v0  }
0x55: {  	v6 =	vld [tilespmem:s28+$0xFFFFFFE0];
	v1 =	vmul.f32 $1.131370830e+01, v1  }
0x56: {  	[tilespmem:s28+$0xFFFFFF80] =	vst v0;
	v0 =	vmul.f32 $1.131370830e+01, v2;
	v2 =	vld [tilespmem:s28+$0x0]  }
0x57: {  	[tilespmem:s28+$0xFFFFFF90] =	vst v1;
	v1 =	vmul.f32 $1.131370830e+01, v3;
	v3 =	vld [tilespmem:s28+$0x10]  }
0x58: {  	[tilespmem:s28+$0xFFFFFFA0] =	vst v0;
	v0 =	vmul.f32 $1.131370830e+01, v4;
	v4 =	vld [tilespmem:s28+$0x20]  }
0x59: {  	v7 =	vld [tilespmem:s28+$0x30];
	[tilespmem:s28+$0xFFFFFFB0] =	vst v1;
	v1 =	vmul.f32 $1.131370830e+01, v5  }
0x5a: {  	v5 =	vmul.f32 $1.131370830e+01, v6;
	[tilespmem:s28+$0xFFFFFFC0] =	vst v0;
	v0 =	vld [tilespmem:s28+$0x40]  }
0x5b: {  	[tilespmem:s28+$0xFFFFFFD0] =	vst v1;
	v1 =	vld [tilespmem:s28+$0x50];
	v2 =	vmul.f32 $1.131370830e+01, v2  }
0x5c: {  	[tilespmem:s28+$0xFFFFFFE0] =	vst v5;
	v6 =	vmul.f32 $1.131370830e+01, v3;
	v3 =	vld [tilespmem:s28+$0x60]  }
0x5d: {  	[tilespmem:s28+$0x0] =	vst v2;
	v5 =	vmul.f32 $1.131370830e+01, v4;
	v4 =	vld [tilespmem:s28+$0x70]  }
0x5e: {  	s30 =	simm.s32 $0xA580;
	s29 =	simm.s32 $0x0;
	v2 =	vld [tilespmem:s28+$0xFFFFFFF0];
	[tilespmem:s28+$0x10] =	vst v6;
	v6 =	vmul.f32 $1.131370830e+01, v7  }
.LBB2_5:
0x5f: {  	v7 =	vld [tilespmem:s30+$0xFFFFFF80];
	[tilespmem:s28+$0x20] =	vst v5;
	v0 =	vmul.f32 $1.131370830e+01, v0  }
0x60: {  	v5 =	vld [tilespmem:s30+$0xFFFFFF90];
	[tilespmem:s28+$0x30] =	vst v6;
	v1 =	vmul.f32 $1.131370830e+01, v1  }
0x61: {  	v6 =	vld [tilespmem:s30+$0xFFFFFFA0];
	[tilespmem:s28+$0x40] =	vst v0;
	v0 =	vmul.f32 $1.131370830e+01, v3  }
0x62: {  	v3 =	vld [tilespmem:s30+$0xFFFFFFB0];
	[tilespmem:s28+$0x50] =	vst v1;
	v1 =	vmul.f32 $1.131370830e+01, v4  }
0x63: {  	v4 =	vld [tilespmem:s30+$0xFFFFFFC0];
	v2 =	vmul.f32 $1.131370830e+01, v2;
	[tilespmem:s28+$0x60] =	vst v0  }
0x64: {  	v0 =	vmul.f32 $1.131370830e+01, v7;
	v7 =	vld [tilespmem:s30+$0xFFFFFFD0];
	[tilespmem:s28+$0x70] =	vst v1  }
0x65: {  	v1 =	vmul.f32 $1.131370830e+01, v5;
	v5 =	vld [tilespmem:s30+$0xFFFFFFE0];
	[tilespmem:s28+$0xFFFFFFF0] =	vst v2;
	s28 =	smov.u32 s30  }
0x66: {  	[tilespmem:s30+$0xFFFFFF80] =	vst v0;
	v0 =	vmul.f32 $1.131370830e+01, v6;
	v2 =	vld [tilespmem:s30+$0x0]  }
0x67: {  	[tilespmem:s30+$0xFFFFFF90] =	vst v1;
	v1 =	vmul.f32 $1.131370830e+01, v3;
	v3 =	vld [tilespmem:s30+$0x10]  }
0x68: {  	s29 =	sadd.s32 $0x2, s29;
	[tilespmem:s30+$0xFFFFFFA0] =	vst v0;
	v0 =	vmul.f32 $1.131370830e+01, v4;
	v4 =	vld [tilespmem:s30+$0x20]  }
0x69: {  	p0 =	slt.u32 s29, $0x7E;
	[tilespmem:s30+$0xFFFFFFB0] =	vst v1;
	v1 =	vmul.f32 $1.131370830e+01, v7;
	v6 =	vld [tilespmem:s30+$0x30]  }
.Ltmp1:
0x6a: {  	[tilespmem:s30+$0xFFFFFFC0] =	vst v0;
	v5 =	vmul.f32 $1.131370830e+01, v5;
	v0 =	vld [tilespmem:s30+$0x40];
	(pc) =	sbr.rel @p0 .LBB2_5-.Ltmp1, $4  }
0x6b: {  	[tilespmem:s30+$0xFFFFFFD0] =	vst v1;
	v2 =	vmul.f32 $1.131370830e+01, v2;
	v1 =	vld [tilespmem:s30+$0x50]  }
0x6c: {  	[tilespmem:s30+$0xFFFFFFE0] =	vst v5;
	v7 =	vmul.f32 $1.131370830e+01, v3;
	v3 =	vld [tilespmem:s30+$0x60]  }
0x6d: {  	[tilespmem:s30+$0x0] =	vst v2;
	v5 =	vmul.f32 $1.131370830e+01, v4;
	v4 =	vld [tilespmem:s30+$0x70]  }
0x6e: {  	s30 =	sadd.s32 $0x100, s30;
	v2 =	vld [tilespmem:s28+$0xFFFFFFF0];
	[tilespmem:s28+$0x10] =	vst v7;
	v6 =	vmul.f32 $1.131370830e+01, v6  }
0x6f: {  	[tilespmem:s28+$0x20] =	vst v5;
	v0 =	vmul.f32 $1.131370830e+01, v0  }
0x70: {  	[tilespmem:s28+$0x30] =	vst v6;
	v1 =	vmul.f32 $1.131370830e+01, v1  }
0x71: {  	[tilespmem:s28+$0x40] =	vst v0;
	v0 =	vmul.f32 $1.131370830e+01, v3  }
0x72: {  	[tilespmem:s28+$0x50] =	vst v1;
	v1 =	vmul.f32 $1.131370830e+01, v4  }
0x73: {  	v2 =	vmul.f32 $1.131370830e+01, v2;
	[tilespmem:s28+$0x60] =	vst v0  }
0x74: {  	s29 =	sshll.u32 s24, $0xD;
	[tilespmem:s28+$0x70] =	vst v1  }
0x75: {  	p0 =	seq.s32 s24, $0x31;
	[tilespmem:s28+$0xFFFFFFF0] =	vst v2;
	s28 =	sadd.s32 s8, s29  }
0x76: {  	[hbm4b:s28+s4] =	stream.linear.scatter [tilespmem:s12], [sflag:$0x6], $0x4000, $0x38;
	[tilespmem:$0x16400] =	vst v63  }
0x77: {  	s28 =	simm.s32 @!p0 $0x5  }
0x78: {  	_ =	swait.ge @!p0 [sflag:s28], $0x4000  }
0x79: {  	s29 =	sshll.u32 @!p0 s24, $0x9;
	[sflag:s28] =	ssyncset.done @!p0 $0x0  }
0x7a: {  	[sflag:s28] =	ssyncadd.s32 @!p0 $0xFFFFC000;
	s28 =	sand.u32 @!p0 $0x3FFFFE00, s29  }
0x7b: {  	s30 =	simm.s32 @!p0 $0x80;
	s31 =	simm.s32 @!p0 $0x6400;
	s29 =	sadd.s32 @!p0 $0x200, s28  }
0x7c: {  	[tilespmem:s31], [sflag:$0x1] =	stream.indirect.gather @!p0 [hbm4b:s2+s30], $0x80, s29, s30, $0xb8;
	[tilespmem:$0x16400] =	vst v63  }
0x7d: {  	_ =	swait.ge [sflag:s17], $0x4000  }
0x7e: {  	[sflag:s17] =	ssyncset.done $0x0  }
0x7f: {  	s29 =	simm.s32 $0xE480;
	[sflag:s17] =	ssyncadd.s32 $0xFFFFC000  }
0x80: {  	v0 =	vld [tilespmem:s29+$0xFFFFFF80]  }
0x81: {  	v1 =	vld [tilespmem:s29+$0xFFFFFF90]  }
0x82: {  	v2 =	vld [tilespmem:s29+$0xFFFFFFA0]  }
0x83: {  	v3 =	vld [tilespmem:s29+$0xFFFFFFB0]  }
0x84: {  	v4 =	vld [tilespmem:s29+$0xFFFFFFC0]  }
0x85: {  	v5 =	vld [tilespmem:s29+$0xFFFFFFD0];
	v0 =	vmul.f32 $1.131370830e+01, v0  }
0x86: {  	v6 =	vld [tilespmem:s29+$0xFFFFFFE0];
	v1 =	vmul.f32 $1.131370830e+01, v1  }
0x87: {  	[tilespmem:s29+$0xFFFFFF80] =	vst v0;
	v0 =	vmul.f32 $1.131370830e+01, v2;
	v2 =	vld [tilespmem:s29+$0x0]  }
0x88: {  	[tilespmem:s29+$0xFFFFFF90] =	vst v1;
	v1 =	vmul.f32 $1.131370830e+01, v3;
	v3 =	vld [tilespmem:s29+$0x10]  }
0x89: {  	[tilespmem:s29+$0xFFFFFFA0] =	vst v0;
	v0 =	vmul.f32 $1.131370830e+01, v4;
	v4 =	vld [tilespmem:s29+$0x20]  }
0x8a: {  	v7 =	vld [tilespmem:s29+$0x30];
	[tilespmem:s29+$0xFFFFFFB0] =	vst v1;
	v1 =	vmul.f32 $1.131370830e+01, v5  }
0x8b: {  	v5 =	vmul.f32 $1.131370830e+01, v6;
	[tilespmem:s29+$0xFFFFFFC0] =	vst v0;
	v0 =	vld [tilespmem:s29+$0x40]  }
0x8c: {  	[tilespmem:s29+$0xFFFFFFD0] =	vst v1;
	v1 =	vmul.f32 $1.131370830e+01, v2;
	v2 =	vld [tilespmem:s29+$0x50]  }
0x8d: {  	[tilespmem:s29+$0xFFFFFFE0] =	vst v5;
	v6 =	vmul.f32 $1.131370830e+01, v3;
	v3 =	vld [tilespmem:s29+$0x60]  }
0x8e: {  	[tilespmem:s29+$0x0] =	vst v1;
	v5 =	vmul.f32 $1.131370830e+01, v4;
	v4 =	vld [tilespmem:s29+$0x70]  }
0x8f: {  	s30 =	simm.s32 $0x0;
	s31 =	simm.s32 $0xE580;
	v1 =	vld [tilespmem:s29+$0xFFFFFFF0];
	[tilespmem:s29+$0x10] =	vst v6;
	v6 =	vmul.f32 $1.131370830e+01, v7  }
.LBB2_7:
0x90: {  	v7 =	vld [tilespmem:s31+$0xFFFFFF80];
	[tilespmem:s29+$0x20] =	vst v5;
	v0 =	vmul.f32 $1.131370830e+01, v0  }
0x91: {  	v5 =	vld [tilespmem:s31+$0xFFFFFF90];
	[tilespmem:s29+$0x30] =	vst v6;
	v2 =	vmul.f32 $1.131370830e+01, v2  }
0x92: {  	v6 =	vld [tilespmem:s31+$0xFFFFFFA0];
	[tilespmem:s29+$0x40] =	vst v0;
	v0 =	vmul.f32 $1.131370830e+01, v3  }
0x93: {  	v3 =	vld [tilespmem:s31+$0xFFFFFFB0];
	[tilespmem:s29+$0x50] =	vst v2;
	v2 =	vmul.f32 $1.131370830e+01, v4  }
0x94: {  	v4 =	vld [tilespmem:s31+$0xFFFFFFC0];
	v1 =	vmul.f32 $1.131370830e+01, v1;
	[tilespmem:s29+$0x60] =	vst v0  }
0x95: {  	v0 =	vmul.f32 $1.131370830e+01, v7;
	v7 =	vld [tilespmem:s31+$0xFFFFFFD0];
	[tilespmem:s29+$0x70] =	vst v2  }
0x96: {  	v2 =	vmul.f32 $1.131370830e+01, v5;
	v5 =	vld [tilespmem:s31+$0xFFFFFFE0];
	[tilespmem:s29+$0xFFFFFFF0] =	vst v1;
	s29 =	smov.u32 s31  }
0x97: {  	[tilespmem:s31+$0xFFFFFF80] =	vst v0;
	v0 =	vmul.f32 $1.131370830e+01, v6;
	v1 =	vld [tilespmem:s31+$0x0]  }
0x98: {  	[tilespmem:s31+$0xFFFFFF90] =	vst v2;
	v2 =	vmul.f32 $1.131370830e+01, v3;
	v3 =	vld [tilespmem:s31+$0x10]  }
0x99: {  	s30 =	sadd.s32 $0x2, s30;
	[tilespmem:s31+$0xFFFFFFA0] =	vst v0;
	v0 =	vmul.f32 $1.131370830e+01, v4;
	v4 =	vld [tilespmem:s31+$0x20]  }
0x9a: {  	p1 =	slt.u32 s30, $0x7E;
	[tilespmem:s31+$0xFFFFFFB0] =	vst v2;
	v2 =	vmul.f32 $1.131370830e+01, v7;
	v6 =	vld [tilespmem:s31+$0x30]  }
.Ltmp2:
0x9b: {  	[tilespmem:s31+$0xFFFFFFC0] =	vst v0;
	v5 =	vmul.f32 $1.131370830e+01, v5;
	v0 =	vld [tilespmem:s31+$0x40];
	(pc) =	sbr.rel @p1 .LBB2_7-.Ltmp2, $4  }
0x9c: {  	[tilespmem:s31+$0xFFFFFFD0] =	vst v2;
	v1 =	vmul.f32 $1.131370830e+01, v1;
	v2 =	vld [tilespmem:s31+$0x50]  }
0x9d: {  	[tilespmem:s31+$0xFFFFFFE0] =	vst v5;
	v7 =	vmul.f32 $1.131370830e+01, v3;
	v3 =	vld [tilespmem:s31+$0x60]  }
0x9e: {  	[tilespmem:s31+$0x0] =	vst v1;
	v5 =	vmul.f32 $1.131370830e+01, v4;
	v4 =	vld [tilespmem:s31+$0x70]  }
0x9f: {  	s31 =	sadd.s32 $0x100, s31;
	v1 =	vld [tilespmem:s29+$0xFFFFFFF0];
	[tilespmem:s29+$0x10] =	vst v7;
	v6 =	vmul.f32 $1.131370830e+01, v6  }
0xa0: {  	[tilespmem:s29+$0x20] =	vst v5;
	v0 =	vmul.f32 $1.131370830e+01, v0  }
0xa1: {  	[tilespmem:s29+$0x30] =	vst v6;
	v2 =	vmul.f32 $1.131370830e+01, v2  }
0xa2: {  	[tilespmem:s29+$0x40] =	vst v0;
	v0 =	vmul.f32 $1.131370830e+01, v3  }
0xa3: {  	s25 =	sshll.u32 s25, $0xE;
	[tilespmem:s29+$0x50] =	vst v2;
	v2 =	vmul.f32 $1.131370830e+01, v4  }
0xa4: {  	s25 =	sadd.s32 s6, s25;
	v1 =	vmul.f32 $1.131370830e+01, v1;
	[tilespmem:s29+$0x60] =	vst v0  }
0xa5: {  	s25 =	sshrl.u32 s25, $0x3;
	[tilespmem:s29+$0x70] =	vst v2  }
0xa6: {  	s25 =	sadd.s32 s3, s25;
	[tilespmem:s29+$0xFFFFFFF0] =	vst v1  }
0xa7: {  	[hbm4b:s25+s4] =	stream.linear.scatter [tilespmem:s13], [sflag:$0x7], $0x4000, $0x38;
	[tilespmem:$0x16400] =	vst v63  }
0xa8: {  	s25 =	simm.s32 @!p0 $0x6  }
0xa9: {  	_ =	swait.ge @!p0 [sflag:s25], $0x4000  }
0xaa: {  	s29 =	simm.s32 @!p0 $0xA400;
	[sflag:s25] =	ssyncset.done @!p0 $0x0  }
0xab: {  	[sflag:s25] =	ssyncadd.s32 @!p0 $0xFFFFC000;
	s25 =	sadd.s32 @!p0 $0x280, s28;
	s28 =	simm.s32 @!p0 $0x80  }
0xac: {  	[tilespmem:s29], [sflag:$0x2] =	stream.indirect.gather @!p0 [hbm4b:s2+s28], $0x80, s25, s28, $0xb8;
	[tilespmem:$0x16400] =	vst v63  }
0xad: {  	_ =	swait.ge [sflag:s18], $0x4000  }
0xae: {  	[sflag:s18] =	ssyncset.done $0x0  }
0xaf: {  	s25 =	simm.s32 $0x12480;
	[sflag:s18] =	ssyncadd.s32 $0xFFFFC000  }
0xb0: {  	v0 =	vld [tilespmem:s25+$0xFFFFFF80]  }
0xb1: {  	v1 =	vld [tilespmem:s25+$0xFFFFFF90]  }
0xb2: {  	v2 =	vld [tilespmem:s25+$0xFFFFFFA0]  }
0xb3: {  	v3 =	vld [tilespmem:s25+$0xFFFFFFB0]  }
0xb4: {  	v4 =	vld [tilespmem:s25+$0xFFFFFFC0]  }
0xb5: {  	v5 =	vld [tilespmem:s25+$0xFFFFFFD0];
	v0 =	vmul.f32 $1.131370830e+01, v0  }
0xb6: {  	v6 =	vld [tilespmem:s25+$0xFFFFFFE0];
	v1 =	vmul.f32 $1.131370830e+01, v1  }
0xb7: {  	[tilespmem:s25+$0xFFFFFF80] =	vst v0;
	v0 =	vmul.f32 $1.131370830e+01, v2;
	v2 =	vld [tilespmem:s25+$0x0]  }
0xb8: {  	[tilespmem:s25+$0xFFFFFF90] =	vst v1;
	v1 =	vmul.f32 $1.131370830e+01, v3;
	v3 =	vld [tilespmem:s25+$0x10]  }
0xb9: {  	[tilespmem:s25+$0xFFFFFFA0] =	vst v0;
	v0 =	vmul.f32 $1.131370830e+01, v4;
	v4 =	vld [tilespmem:s25+$0x20]  }
0xba: {  	v7 =	vld [tilespmem:s25+$0x30];
	[tilespmem:s25+$0xFFFFFFB0] =	vst v1;
	v1 =	vmul.f32 $1.131370830e+01, v5  }
0xbb: {  	v5 =	vmul.f32 $1.131370830e+01, v6;
	[tilespmem:s25+$0xFFFFFFC0] =	vst v0;
	v0 =	vld [tilespmem:s25+$0x40]  }
0xbc: {  	[tilespmem:s25+$0xFFFFFFD0] =	vst v1;
	v1 =	vmul.f32 $1.131370830e+01, v2;
	v2 =	vld [tilespmem:s25+$0x50]  }
0xbd: {  	[tilespmem:s25+$0xFFFFFFE0] =	vst v5;
	v6 =	vmul.f32 $1.131370830e+01, v3;
	v3 =	vld [tilespmem:s25+$0x60]  }
0xbe: {  	[tilespmem:s25+$0x0] =	vst v1;
	v5 =	vmul.f32 $1.131370830e+01, v4;
	v4 =	vld [tilespmem:s25+$0x70]  }
0xbf: {  	s28 =	simm.s32 $0x0;
	s29 =	simm.s32 $0x12580;
	v1 =	vld [tilespmem:s25+$0xFFFFFFF0];
	[tilespmem:s25+$0x10] =	vst v6;
	v6 =	vmul.f32 $1.131370830e+01, v7  }
.LBB2_9:
0xc0: {  	v7 =	vld [tilespmem:s29+$0xFFFFFF80];
	[tilespmem:s25+$0x20] =	vst v5;
	v0 =	vmul.f32 $1.131370830e+01, v0  }
0xc1: {  	v5 =	vld [tilespmem:s29+$0xFFFFFF90];
	[tilespmem:s25+$0x30] =	vst v6;
	v2 =	vmul.f32 $1.131370830e+01, v2  }
0xc2: {  	v6 =	vld [tilespmem:s29+$0xFFFFFFA0];
	[tilespmem:s25+$0x40] =	vst v0;
	v0 =	vmul.f32 $1.131370830e+01, v3  }
0xc3: {  	v3 =	vld [tilespmem:s29+$0xFFFFFFB0];
	[tilespmem:s25+$0x50] =	vst v2;
	v2 =	vmul.f32 $1.131370830e+01, v4  }
0xc4: {  	v4 =	vld [tilespmem:s29+$0xFFFFFFC0];
	v1 =	vmul.f32 $1.131370830e+01, v1;
	[tilespmem:s25+$0x60] =	vst v0  }
0xc5: {  	v0 =	vmul.f32 $1.131370830e+01, v7;
	v7 =	vld [tilespmem:s29+$0xFFFFFFD0];
	[tilespmem:s25+$0x70] =	vst v2  }
0xc6: {  	v2 =	vmul.f32 $1.131370830e+01, v5;
	v5 =	vld [tilespmem:s29+$0xFFFFFFE0];
	[tilespmem:s25+$0xFFFFFFF0] =	vst v1;
	s25 =	smov.u32 s29  }
0xc7: {  	[tilespmem:s29+$0xFFFFFF80] =	vst v0;
	v0 =	vmul.f32 $1.131370830e+01, v6;
	v1 =	vld [tilespmem:s29+$0x0]  }
0xc8: {  	[tilespmem:s29+$0xFFFFFF90] =	vst v2;
	v2 =	vmul.f32 $1.131370830e+01, v3;
	v3 =	vld [tilespmem:s29+$0x10]  }
0xc9: {  	s28 =	sadd.s32 $0x2, s28;
	[tilespmem:s29+$0xFFFFFFA0] =	vst v0;
	v0 =	vmul.f32 $1.131370830e+01, v4;
	v4 =	vld [tilespmem:s29+$0x20]  }
0xca: {  	p0 =	slt.u32 s28, $0x7E;
	[tilespmem:s29+$0xFFFFFFB0] =	vst v2;
	v2 =	vmul.f32 $1.131370830e+01, v7;
	v6 =	vld [tilespmem:s29+$0x30]  }
.Ltmp3:
0xcb: {  	[tilespmem:s29+$0xFFFFFFC0] =	vst v0;
	v5 =	vmul.f32 $1.131370830e+01, v5;
	v0 =	vld [tilespmem:s29+$0x40];
	(pc) =	sbr.rel @p0 .LBB2_9-.Ltmp3, $4  }
0xcc: {  	[tilespmem:s29+$0xFFFFFFD0] =	vst v2;
	v1 =	vmul.f32 $1.131370830e+01, v1;
	v2 =	vld [tilespmem:s29+$0x50]  }
0xcd: {  	[tilespmem:s29+$0xFFFFFFE0] =	vst v5;
	v7 =	vmul.f32 $1.131370830e+01, v3;
	v3 =	vld [tilespmem:s29+$0x60]  }
0xce: {  	[tilespmem:s29+$0x0] =	vst v1;
	v5 =	vmul.f32 $1.131370830e+01, v4;
	v4 =	vld [tilespmem:s29+$0x70]  }
0xcf: {  	s29 =	sadd.s32 $0x100, s29;
	v1 =	vld [tilespmem:s25+$0xFFFFFFF0];
	[tilespmem:s25+$0x10] =	vst v7;
	v6 =	vmul.f32 $1.131370830e+01, v6  }
0xd0: {  	[tilespmem:s25+$0x20] =	vst v5;
	v0 =	vmul.f32 $1.131370830e+01, v0  }
0xd1: {  	s24 =	sadd.s32 $0x1, s24;
	[tilespmem:s25+$0x30] =	vst v6;
	v2 =	vmul.f32 $1.131370830e+01, v2  }
0xd2: {  	p0 =	sne.s32 s24, $0x32;
	[tilespmem:s25+$0x40] =	vst v0;
	v62 =	vmul.f32 $1.131370830e+01, v3  }
.Ltmp4:
0xd3: {  	s26 =	sshll.u32 s26, $0xE;
	[tilespmem:s25+$0x50] =	vst v2;
	v63 =	vmul.f32 $1.131370830e+01, v4;
	(pc) =	sbr.rel @p0 .LBB2_2-.Ltmp4, $4  }
0xd4: {  	s26 =	sadd.s32 s6, s26;
	v1 =	vmul.f32 $1.131370830e+01, v1;
	[tilespmem:s25+$0x60] =	vst v62  }
0xd5: {  	s26 =	sshrl.u32 s26, $0x3;
	[tilespmem:s25+$0x70] =	vst v63  }
0xd6: {  	s31 =	sadd.s32 s3, s26;
	[tilespmem:s25+$0xFFFFFFF0] =	vst v1  }
0xd7: {  	[hbm4b:s31+s4] =	stream.linear.scatter [tilespmem:s15], [sflag:$0x8], $0x4000, $0x38;
	[tilespmem:$0x16400] =	vst v63  }
0xd8: {  	_ =	swait.ge [sflag:s19], $0x4000  }
0xd9: {  	[sflag:s19] =	ssyncset.done $0x0  }
0xda: {  	[sflag:s19] =	ssyncadd.s32 $0xFFFFC000  }
0xdb: {  	_ =	swait.ge [sflag:s20], $0x4000  }
0xdc: {  	[sflag:s20] =	ssyncset.done $0x0  }
0xdd: {  	s23 =	sadd.s32 $0x1, s23;
	[sflag:s20] =	ssyncadd.s32 $0xFFFFC000  }
0xde: {  	p0 =	sne.s32 s23, s7;
	_ =	swait.ge [sflag:s21], $0x4000  }
.Ltmp5:
0xdf: {  	[sflag:s21] =	ssyncset.done $0x0;
	(pc) =	sbr.rel @p0 .LBB2_1-.Ltmp5, $4  }
0xe0: {  	[sflag:s21] =	ssyncadd.s32 $0xFFFFC000  }
0xe1: {  	_ =	swait.ge [sflag:s22], $0x4000  }
0xe2: {  	[sflag:s22] =	ssyncset.done $0x0  }
0xe3: {  	[sflag:s22] =	ssyncadd.s32 $0xFFFFC000  }
0xe4: {  	_ =	sfence.sel $0x180000  }
0xe5: {  	[bflag:$0x0] =	sbarrier.arrive $0xFFFF  }
0xe6: {  	p0 =	sne.s32 s0, $0x0;
	_ =	strace $0x90000047  }
0xe7: {  	s0 =	sadd.s32 @!p0 $0x100000, s1;
	[bflag:$0x2] =	sbarrier.arrive $0xFFFF  }
0xe8: {  	[sflag:s0] =	ssyncadd.tile.s32 @!p0 $0x1;
	_ =	shalt  }
.Lfunc_end2:
_tile_overlayer_lowered:
.L_overlay_start_2:
0xe9: {  	(tag) =	ssettag $0x2  }
0xea: {  	s0 =	rddreg [dreg:$0x0];
	s2 =	stileid.u32  }
0xeb: {  	s1 =	rddreg [dreg:$0x1];
	p0 =	sne.s32 s2, $0x0  }
0xec: {  	s3 =	rddreg [dreg:$0x2];
	[bflag:$0x3] =	sbarrier.arrive $0xFFFF;
	s2 =	simm.s32 @!p0 $0x1C09  }
0xed: {  	[timem:s3], [sflag:s2] =	dma.local @!p0 [hbm:s0], s1  }
0xee: {  	s0 =	simm.s32 @!p0 $0x9  }
0xef: {  	_ =	swait.ge @!p0 [sflag:s0], s1  }
0xf0: {  	s1 =	ssub.s32 @!p0 $0x0, s1;
	[sflag:s0] =	ssyncset.done @!p0 $0x0  }
0xf1: {  	[sflag:s0] =	ssyncadd.s32 @!p0 s1  }
0xf2: {  	[bflag:$0x3] =	sbarrier.arrive $0xFFFF  }
0xf3: {  	_ =	shalt  }

</sc_bundles>
